<compile_context>
chip_gen: v7x
topology: tpu7x:2x2x1
jax: 0.10.2.dev20260603
libtpu: 0.0.44.dev20260713+nightly
codegen_flags: <defaults>
</compile_context>

<pallas_src>
import functools

import jax
import jax.numpy as jnp
from jax import lax
from jax.experimental import pallas as pl
from jax.experimental.pallas import tpu as pltpu
from jax.experimental.pallas import tpu_sc as plsc

_NUM_CORES = 2
_NUM_SUBCORES = 16
_NW = _NUM_CORES * _NUM_SUBCORES
_LANES = 16
_NBUF = 4


@functools.lru_cache(maxsize=None)
def _make_sc_kernel(batch, seq, d):
    ch = seq
    bpw = batch // _NW
    nb = _NBUF
    nround = bpw // nb
    assert bpw % nb == 0
    mesh = plsc.VectorSubcoreMesh(
        core_axis_name="c", subcore_axis_name="s",
        num_cores=_NUM_CORES, num_subcores=_NUM_SUBCORES)

    @functools.partial(
        pl.kernel,
        mesh=mesh,
        out_type=jax.ShapeDtypeStruct((batch, seq, d), jnp.float32),
        scratch_types=[
            pltpu.VMEM((bpw, ch), jnp.int32),
            pltpu.VMEM((nb, ch, d), jnp.float32),
            pltpu.VMEM((ch, d), jnp.float32),
            pltpu.SemaphoreType.DMA((nb,)),
            pltpu.SemaphoreType.DMA((nb,)),
        ],
        compiler_params=pltpu.CompilerParams(use_tc_tiling_on_sc=False),
    )
    def k(table_hbm, idx_hbm, pos_hbm, out_hbm, idx_v, rows_v, pos_v, sg, so):
        wid = lax.axis_index("s") * _NUM_CORES + lax.axis_index("c")
        b0 = wid * bpw
        pltpu.sync_copy(idx_hbm.at[pl.ds(b0, bpw), :], idx_v)
        pltpu.sync_copy(pos_hbm, pos_v)

        def gather(j, b):
            pltpu.async_copy(
                table_hbm.at[idx_v.at[j]], rows_v.at[b], sg.at[b])

        def wait_gather(b):
            pltpu.make_async_copy(
                table_hbm.at[idx_v.at[0]], rows_v.at[b], sg.at[b]).wait()

        def wait_out(b):
            pltpu.make_async_copy(
                rows_v.at[b], out_hbm.at[0], so.at[b]).wait()

        for p in range(nb - 1):
            gather(p, p)

        def round_body(g, carry):
            j0 = g * nb
            for b in range(nb):
                j = j0 + b
                wait_gather(b)

                def add_body(r, c2, _b=b):
                    for cc in range(d // _LANES):
                        sl = pl.ds(cc * _LANES, _LANES)
                        plsc.addupdate(rows_v.at[_b, r, sl], pos_v[r, sl])
                    return c2

                lax.fori_loop(0, ch, add_body, 0, unroll=4)
                pltpu.async_copy(rows_v.at[b], out_hbm.at[b0 + j], so.at[b])

                jg = j + nb - 1
                bg = (b - 1) % nb

                @pl.when(jnp.logical_and(jg < bpw, j >= 1))
                def _():
                    wait_out(bg)

                @pl.when(jg < bpw)
                def _():
                    gather(jg, bg)
            return carry

        lax.fori_loop(0, nround, round_body, 0)
        for b in range(nb):
            wait_out(b)

    return k


def kernel(response_sequence, response_table, positional_table):
    b, s = response_sequence.shape
    v, d = response_table.shape
    k = _make_sc_kernel(b, s, d)
    return k(response_table, response_sequence, positional_table)

# --- scband reference (transcript-rebuilt; emitter-appended) ---
"""Pipeline reference for scband-response-decoder-41532333752893 (READ-ONLY COPY).

The authoritative reference and input builder live on the scoring server;
editing this copy changes nothing except your own understanding.
"""

import jax, jax.numpy as jnp
import numpy as np

BATCH = 4096
SEQ_LEN = 200
VOCAB = 1000000
EMB_DIM = 64


def setup_inputs(seed: int = 0) -> dict:
    key = jax.random.key(seed)
    k1, k2, k3 = jax.random.split(key, 3)
    response_sequence = jax.random.randint(k1, (BATCH, SEQ_LEN), 0, VOCAB, dtype=jnp.int64 if jax.config.jax_enable_x64 else jnp.int32).astype(jnp.int32)
    response_table = jax.random.normal(k2, (VOCAB, EMB_DIM), dtype=jnp.float32) * 0.02
    positional_table = jax.random.normal(k3, (SEQ_LEN, EMB_DIM), dtype=jnp.float32) * 0.02
    return {
        "response_sequence": response_sequence,
        "response_table": response_table,
        "positional_table": positional_table,
    }


def reference(response_sequence, response_table, positional_table):
    # response_emb = self.response_embedding(response_sequence)
    response_emb = jnp.take(response_table, response_sequence, axis=0)  # [B, S, D]
    batch_size = response_sequence.shape[0]
    # position_sequence = arange(seq_len) expanded over batch
    position_sequence = jnp.broadcast_to(jnp.arange(SEQ_LEN)[None, :], (batch_size, SEQ_LEN))
    positional_emb = jnp.take(positional_table, position_sequence, axis=0)  # [B, S, D]
    combined_embedding = positional_emb + response_emb
    return combined_embedding

if __name__ == "__main__":
    import jax
    _d = setup_inputs()
    print(jax.jit(kernel)(*tuple(_d.values())))

</pallas_src>

<mosaic_0001>
#map = affine_map<(d0, d1) -> (0, 0)>
#map1 = affine_map<(d0, d1) -> (0, 0, 0)>
module attributes {stable_mosaic.version = 14 : i64} {
  func.func @k(%arg0: i32, %arg1: i32, %arg2: memref<1000000x64xf32, #tpu.memory_space<hbm>>, %arg3: memref<4096x200xi32, #tpu.memory_space<hbm>>, %arg4: memref<200x64xf32, #tpu.memory_space<hbm>>, %arg5: memref<4096x200x64xf32, #tpu.memory_space<hbm>>, %arg6: memref<128x200xi32, #tpu.memory_space<vmem>>, %arg7: memref<4x200x64xf32, #tpu.memory_space<vmem>>, %arg8: memref<200x64xf32, #tpu.memory_space<vmem>>, %arg9: memref<4x!tpu.dma_semaphore, #tpu.memory_space<semaphore_mem>>, %arg10: memref<4x!tpu.dma_semaphore, #tpu.memory_space<semaphore_mem>>) attributes {dimension_semantics = [#tpu.dimension_semantics<core_parallel>, #tpu.dimension_semantics<subcore_parallel>], iteration_bounds = array<i64: 2, 16>, scalar_prefetch = 0 : i64, scratch_operands = 5 : i64, tpu.core_type = #tpu.core_type<sc_vector_subcore>, window_params = [{transform_indices = #map}, {transform_indices = #map}, {transform_indices = #map}, {transform_indices = #map1}]} {
    %mul3A = arith.constant 2 : i32
    %mul3A_0 = arith.muli %arg1, %mul3A : i32
    %add3A = arith.addi %mul3A_0, %arg0 : i32
    %mul3A_1 = arith.constant 128 : i32
    %mul3A_2 = arith.muli %add3A, %mul3A_1 : i32
    "tpu.region"() ({
      %run_scoped3A = tpu.sem_alloc : memref<!tpu.dma_semaphore, #tpu.memory_space<semaphore_mem>>
      %dma_start3A_135 = arith.constant 0 : i32
      %dma_start3A_136 = tpu.memref_slice %arg3[%mul3A_2, %dma_start3A_135] : memref<4096x200xi32, #tpu.memory_space<hbm>> -> memref<128x200xi32, #tpu.memory_space<hbm>>
      %dma_start3A_137 = arith.constant 0 : i32
      %dma_start3A_138 = tpu.memref_slice %arg3[%mul3A_2, %dma_start3A_137] : memref<4096x200xi32, #tpu.memory_space<hbm>> -> memref<128x200xi32, #tpu.memory_space<hbm>>
      tpu.enqueue_dma source(%dma_start3A_138 : memref<128x200xi32, #tpu.memory_space<hbm>>) target(%arg6 : memref<128x200xi32, #tpu.memory_space<vmem>>) target_semaphore(%run_scoped3A : memref<!tpu.dma_semaphore, #tpu.memory_space<semaphore_mem>>)
      %dma_wait3A_139 = arith.constant 0 : i32
      %dma_wait3A_140 = tpu.memref_slice %arg3[%mul3A_2, %dma_wait3A_139] : memref<4096x200xi32, #tpu.memory_space<hbm>> -> memref<128x200xi32, #tpu.memory_space<hbm>>
      %dma_wait3A_141 = arith.constant 0 : i32
      %dma_wait3A_142 = tpu.memref_slice %arg3[%mul3A_2, %dma_wait3A_141] : memref<4096x200xi32, #tpu.memory_space<hbm>> -> memref<128x200xi32, #tpu.memory_space<hbm>>
      tpu.wait_dma2 semaphore(%run_scoped3A : memref<!tpu.dma_semaphore, #tpu.memory_space<semaphore_mem>>) src(%dma_wait3A_142 : memref<128x200xi32, #tpu.memory_space<hbm>>) dst(%arg6 : memref<128x200xi32, #tpu.memory_space<vmem>>)
      tpu.yield
    }) : () -> ()
    "tpu.region"() ({
      %run_scoped3A = tpu.sem_alloc : memref<!tpu.dma_semaphore, #tpu.memory_space<semaphore_mem>>
      tpu.enqueue_dma source(%arg4 : memref<200x64xf32, #tpu.memory_space<hbm>>) target(%arg8 : memref<200x64xf32, #tpu.memory_space<vmem>>) target_semaphore(%run_scoped3A : memref<!tpu.dma_semaphore, #tpu.memory_space<semaphore_mem>>)
      tpu.wait_dma2 semaphore(%run_scoped3A : memref<!tpu.dma_semaphore, #tpu.memory_space<semaphore_mem>>) src(%arg4 : memref<200x64xf32, #tpu.memory_space<hbm>>) dst(%arg8 : memref<200x64xf32, #tpu.memory_space<vmem>>)
      tpu.yield
    }) : () -> ()
    %dma_start3A = arith.constant 0 : i32
    %dma_start3A_3 = arith.constant 0 : i32
    %dma_start3A_4 = arith.constant 0 : i32
    %dma_start3A_5 = arith.constant 0 : i32
    %dma_start3A_6 = arith.constant 0 : i32
    %dma_start3A_7 = tpu.memref_slice %arg7[%dma_start3A_3, %dma_start3A_5, %dma_start3A_6] : memref<4x200x64xf32, #tpu.memory_space<vmem>> -> memref<1x200x64xf32, #tpu.memory_space<vmem>>
    %dma_start3A_8 = tpu.memref_squeeze %dma_start3A_7 : memref<1x200x64xf32, #tpu.memory_space<vmem>> -> memref<200x64xf32, #tpu.memory_space<vmem>>
    %dma_start3A_9 = arith.constant 0 : i32
    %dma_start3A_10 = tpu.memref_slice %arg6[%dma_start3A, %dma_start3A_9] : memref<128x200xi32, #tpu.memory_space<vmem>> -> memref<1x200xi32, #tpu.memory_space<vmem>>
    %dma_start3A_11 = tpu.memref_squeeze %dma_start3A_10 : memref<1x200xi32, #tpu.memory_space<vmem>> -> memref<200xi32, #tpu.memory_space<vmem>>
    %dma_start3A_12 = arith.constant 0 : i32
    %dma_start3A_13 = arith.constant 0 : i32
    %dma_start3A_14 = tpu.memref_slice %arg2[%dma_start3A_12, %dma_start3A_13] : memref<1000000x64xf32, #tpu.memory_space<hbm>> -> memref<1000000x64xf32, #tpu.memory_space<hbm>>
    %dma_start3A_15 = tpu.memref_slice %arg9[%dma_start3A_4] : memref<4x!tpu.dma_semaphore, #tpu.memory_space<semaphore_mem>> -> memref<1x!tpu.dma_semaphore, #tpu.memory_space<semaphore_mem>>
    %dma_start3A_16 = tpu.memref_squeeze %dma_start3A_15 : memref<1x!tpu.dma_semaphore, #tpu.memory_space<semaphore_mem>> -> memref<!tpu.dma_semaphore, #tpu.memory_space<semaphore_mem>>
    tpu.enqueue_indirect_dma source(%dma_start3A_14 : memref<1000000x64xf32, #tpu.memory_space<hbm>>) target(%dma_start3A_8 : memref<200x64xf32, #tpu.memory_space<vmem>>) offsets(%dma_start3A_11 : memref<200xi32, #tpu.memory_space<vmem>>) semaphore(%dma_start3A_16 : memref<!tpu.dma_semaphore, #tpu.memory_space<semaphore_mem>>)
    %dma_start3A_17 = arith.constant 1 : i32
    %dma_start3A_18 = arith.constant 1 : i32
    %dma_start3A_19 = arith.constant 1 : i32
    %dma_start3A_20 = arith.constant 0 : i32
    %dma_start3A_21 = arith.constant 0 : i32
    %dma_start3A_22 = tpu.memref_slice %arg7[%dma_start3A_18, %dma_start3A_20, %dma_start3A_21] : memref<4x200x64xf32, #tpu.memory_space<vmem>> -> memref<1x200x64xf32, #tpu.memory_space<vmem>>
    %dma_start3A_23 = tpu.memref_squeeze %dma_start3A_22 : memref<1x200x64xf32, #tpu.memory_space<vmem>> -> memref<200x64xf32, #tpu.memory_space<vmem>>
    %dma_start3A_24 = arith.constant 0 : i32
    %dma_start3A_25 = tpu.memref_slice %arg6[%dma_start3A_17, %dma_start3A_24] : memref<128x200xi32, #tpu.memory_space<vmem>> -> memref<1x200xi32, #tpu.memory_space<vmem>>
    %dma_start3A_26 = tpu.memref_squeeze %dma_start3A_25 : memref<1x200xi32, #tpu.memory_space<vmem>> -> memref<200xi32, #tpu.memory_space<vmem>>
    %dma_start3A_27 = arith.constant 0 : i32
    %dma_start3A_28 = arith.constant 0 : i32
    %dma_start3A_29 = tpu.memref_slice %arg2[%dma_start3A_27, %dma_start3A_28] : memref<1000000x64xf32, #tpu.memory_space<hbm>> -> memref<1000000x64xf32, #tpu.memory_space<hbm>>
    %dma_start3A_30 = tpu.memref_slice %arg9[%dma_start3A_19] : memref<4x!tpu.dma_semaphore, #tpu.memory_space<semaphore_mem>> -> memref<1x!tpu.dma_semaphore, #tpu.memory_space<semaphore_mem>>
    %dma_start3A_31 = tpu.memref_squeeze %dma_start3A_30 : memref<1x!tpu.dma_semaphore, #tpu.memory_space<semaphore_mem>> -> memref<!tpu.dma_semaphore, #tpu.memory_space<semaphore_mem>>
    tpu.enqueue_indirect_dma source(%dma_start3A_29 : memref<1000000x64xf32, #tpu.memory_space<hbm>>) target(%dma_start3A_23 : memref<200x64xf32, #tpu.memory_space<vmem>>) offsets(%dma_start3A_26 : memref<200xi32, #tpu.memory_space<vmem>>) semaphore(%dma_start3A_31 : memref<!tpu.dma_semaphore, #tpu.memory_space<semaphore_mem>>)
    %dma_start3A_32 = arith.constant 2 : i32
    %dma_start3A_33 = arith.constant 2 : i32
    %dma_start3A_34 = arith.constant 2 : i32
    %dma_start3A_35 = arith.constant 0 : i32
    %dma_start3A_36 = arith.constant 0 : i32
    %dma_start3A_37 = tpu.memref_slice %arg7[%dma_start3A_33, %dma_start3A_35, %dma_start3A_36] : memref<4x200x64xf32, #tpu.memory_space<vmem>> -> memref<1x200x64xf32, #tpu.memory_space<vmem>>
    %dma_start3A_38 = tpu.memref_squeeze %dma_start3A_37 : memref<1x200x64xf32, #tpu.memory_space<vmem>> -> memref<200x64xf32, #tpu.memory_space<vmem>>
    %dma_start3A_39 = arith.constant 0 : i32
    %dma_start3A_40 = tpu.memref_slice %arg6[%dma_start3A_32, %dma_start3A_39] : memref<128x200xi32, #tpu.memory_space<vmem>> -> memref<1x200xi32, #tpu.memory_space<vmem>>
    %dma_start3A_41 = tpu.memref_squeeze %dma_start3A_40 : memref<1x200xi32, #tpu.memory_space<vmem>> -> memref<200xi32, #tpu.memory_space<vmem>>
    %dma_start3A_42 = arith.constant 0 : i32
    %dma_start3A_43 = arith.constant 0 : i32
    %dma_start3A_44 = tpu.memref_slice %arg2[%dma_start3A_42, %dma_start3A_43] : memref<1000000x64xf32, #tpu.memory_space<hbm>> -> memref<1000000x64xf32, #tpu.memory_space<hbm>>
    %dma_start3A_45 = tpu.memref_slice %arg9[%dma_start3A_34] : memref<4x!tpu.dma_semaphore, #tpu.memory_space<semaphore_mem>> -> memref<1x!tpu.dma_semaphore, #tpu.memory_space<semaphore_mem>>
    %dma_start3A_46 = tpu.memref_squeeze %dma_start3A_45 : memref<1x!tpu.dma_semaphore, #tpu.memory_space<semaphore_mem>> -> memref<!tpu.dma_semaphore, #tpu.memory_space<semaphore_mem>>
    tpu.enqueue_indirect_dma source(%dma_start3A_44 : memref<1000000x64xf32, #tpu.memory_space<hbm>>) target(%dma_start3A_38 : memref<200x64xf32, #tpu.memory_space<vmem>>) offsets(%dma_start3A_41 : memref<200xi32, #tpu.memory_space<vmem>>) semaphore(%dma_start3A_46 : memref<!tpu.dma_semaphore, #tpu.memory_space<semaphore_mem>>)
    %scan3A = arith.constant 0 : i32
    %scan3A_47 = arith.constant 0 : i32
    %scan3A_48 = arith.constant 32 : i32
    %scan3A_49 = arith.addi %scan3A_47, %scan3A_48 : i32
    %scan3A_50 = arith.constant 1 : i32
    scf.for %scan3A_135 = %scan3A_47 to %scan3A_49 step %scan3A_50  : i32 {
      %mul3A_136 = arith.constant 4 : i32
      %mul3A_137 = arith.muli %scan3A_135, %mul3A_136 : i32
      %add3A_138 = arith.constant 0 : i32
      %add3A_139 = arith.addi %mul3A_137, %add3A_138 : i32
      %dma_wait3A_140 = arith.constant 0 : i32
      %dma_wait3A_141 = arith.constant 0 : i32
      %dma_wait3A_142 = arith.constant 0 : i32
      %dma_wait3A_143 = arith.constant 0 : i32
      %dma_wait3A_144 = arith.constant 0 : i32
      %dma_wait3A_145 = tpu.memref_slice %arg7[%dma_wait3A_141, %dma_wait3A_143, %dma_wait3A_144] : memref<4x200x64xf32, #tpu.memory_space<vmem>> -> memref<1x200x64xf32, #tpu.memory_space<vmem>>
      %dma_wait3A_146 = tpu.memref_squeeze %dma_wait3A_145 : memref<1x200x64xf32, #tpu.memory_space<vmem>> -> memref<200x64xf32, #tpu.memory_space<vmem>>
      %dma_wait3A_147 = arith.constant 0 : i32
      %dma_wait3A_148 = tpu.memref_slice %arg6[%dma_wait3A_140, %dma_wait3A_147] : memref<128x200xi32, #tpu.memory_space<vmem>> -> memref<1x200xi32, #tpu.memory_space<vmem>>
      %dma_wait3A_149 = tpu.memref_squeeze %dma_wait3A_148 : memref<1x200xi32, #tpu.memory_space<vmem>> -> memref<200xi32, #tpu.memory_space<vmem>>
      %dma_wait3A_150 = arith.constant 0 : i32
      %dma_wait3A_151 = arith.constant 0 : i32
      %dma_wait3A_152 = tpu.memref_slice %arg2[%dma_wait3A_150, %dma_wait3A_151] : memref<1000000x64xf32, #tpu.memory_space<hbm>> -> memref<1000000x64xf32, #tpu.memory_space<hbm>>
      %dma_wait3A_153 = tpu.memref_slice %arg9[%dma_wait3A_142] : memref<4x!tpu.dma_semaphore, #tpu.memory_space<semaphore_mem>> -> memref<1x!tpu.dma_semaphore, #tpu.memory_space<semaphore_mem>>
      %dma_wait3A_154 = tpu.memref_squeeze %dma_wait3A_153 : memref<1x!tpu.dma_semaphore, #tpu.memory_space<semaphore_mem>> -> memref<!tpu.dma_semaphore, #tpu.memory_space<semaphore_mem>>
      tpu.wait_indirect_dma semaphore(%dma_wait3A_154 : memref<!tpu.dma_semaphore, #tpu.memory_space<semaphore_mem>>) src(%dma_wait3A_152 : memref<1000000x64xf32, #tpu.memory_space<hbm>>) dst(%dma_wait3A_146 : memref<200x64xf32, #tpu.memory_space<vmem>>)
      %scan3A_155 = arith.constant 0 : i32
      %scan3A_156 = arith.constant 0 : i32
      %scan3A_157 = arith.constant 200 : i32
      %scan3A_158 = arith.addi %scan3A_156, %scan3A_157 : i32
      %scan3A_159 = arith.constant 4 : i32
      scf.for %scan3A_376 = %scan3A_156 to %scan3A_158 step %scan3A_159  : i32 {
        %get3A = arith.index_cast %scan3A_376 : i32 to index
        %get3A_377 = arith.constant 0 : index
        %get3A_378 = tpu.vector_load %arg8[%get3A, %get3A_377] {strides = array<i32>} : memref<200x64xf32, #tpu.memory_space<vmem>>, vector<1x16xf32>,
        %get3A_379 = vector.shape_cast %get3A_378 : vector<1x16xf32> to vector<16xf32>
        %swap3A = arith.constant 0 : i32
        %swap3A_380 = arith.index_cast %swap3A : i32 to index
        %swap3A_381 = arith.index_cast %scan3A_376 : i32 to index
        %swap3A_382 = arith.constant 0 : index
        %swap3A_383 = tpu.vector_load %arg7[%swap3A_380, %swap3A_381, %swap3A_382] {strides = array<i32>} : memref<4x200x64xf32, #tpu.memory_space<vmem>>, vector<1x1x16xf32>,
        %swap3A_384 = vector.shape_cast %swap3A_383 : vector<1x1x16xf32> to vector<16xf32>
        %swap3A_385 = vector.shape_cast %get3A_379 : vector<16xf32> to vector<1x1x16xf32>
        tpu.vector_store %arg7[%swap3A_380, %swap3A_381, %swap3A_382], %swap3A_385 {add = true, strides = array<i32>} : memref<4x200x64xf32, #tpu.memory_space<vmem>>, vector<1x1x16xf32>,
        %get3A_386 = arith.index_cast %scan3A_376 : i32 to index
        %get3A_387 = arith.constant 16 : index
        %get3A_388 = tpu.vector_load %arg8[%get3A_386, %get3A_387] {strides = array<i32>} : memref<200x64xf32, #tpu.memory_space<vmem>>, vector<1x16xf32>,
        %get3A_389 = vector.shape_cast %get3A_388 : vector<1x16xf32> to vector<16xf32>
        %swap3A_390 = arith.constant 0 : i32
        %swap3A_391 = arith.index_cast %swap3A_390 : i32 to index
        %swap3A_392 = arith.index_cast %scan3A_376 : i32 to index
        %swap3A_393 = arith.constant 16 : index
        %swap3A_394 = tpu.vector_load %arg7[%swap3A_391, %swap3A_392, %swap3A_393] {strides = array<i32>} : memref<4x200x64xf32, #tpu.memory_space<vmem>>, vector<1x1x16xf32>,
        %swap3A_395 = vector.shape_cast %swap3A_394 : vector<1x1x16xf32> to vector<16xf32>
        %swap3A_396 = vector.shape_cast %get3A_389 : vector<16xf32> to vector<1x1x16xf32>
        tpu.vector_store %arg7[%swap3A_391, %swap3A_392, %swap3A_393], %swap3A_396 {add = true, strides = array<i32>} : memref<4x200x64xf32, #tpu.memory_space<vmem>>, vector<1x1x16xf32>,
        %get3A_397 = arith.index_cast %scan3A_376 : i32 to index
        %get3A_398 = arith.constant 32 : index
        %get3A_399 = tpu.vector_load %arg8[%get3A_397, %get3A_398] {strides = array<i32>} : memref<200x64xf32, #tpu.memory_space<vmem>>, vector<1x16xf32>,
        %get3A_400 = vector.shape_cast %get3A_399 : vector<1x16xf32> to vector<16xf32>
        %swap3A_401 = arith.constant 0 : i32
        %swap3A_402 = arith.index_cast %swap3A_401 : i32 to index
        %swap3A_403 = arith.index_cast %scan3A_376 : i32 to index
        %swap3A_404 = arith.constant 32 : index
        %swap3A_405 = tpu.vector_load %arg7[%swap3A_402, %swap3A_403, %swap3A_404] {strides = array<i32>} : memref<4x200x64xf32, #tpu.memory_space<vmem>>, vector<1x1x16xf32>,
        %swap3A_406 = vector.shape_cast %swap3A_405 : vector<1x1x16xf32> to vector<16xf32>
        %swap3A_407 = vector.shape_cast %get3A_400 : vector<16xf32> to vector<1x1x16xf32>
        tpu.vector_store %arg7[%swap3A_402, %swap3A_403, %swap3A_404], %swap3A_407 {add = true, strides = array<i32>} : memref<4x200x64xf32, #tpu.memory_space<vmem>>, vector<1x1x16xf32>,
        %get3A_408 = arith.index_cast %scan3A_376 : i32 to index
        %get3A_409 = arith.constant 48 : index
        %get3A_410 = tpu.vector_load %arg8[%get3A_408, %get3A_409] {strides = array<i32>} : memref<200x64xf32, #tpu.memory_space<vmem>>, vector<1x16xf32>,
        %get3A_411 = vector.shape_cast %get3A_410 : vector<1x16xf32> to vector<16xf32>
        %swap3A_412 = arith.constant 0 : i32
        %swap3A_413 = arith.index_cast %swap3A_412 : i32 to index
        %swap3A_414 = arith.index_cast %scan3A_376 : i32 to index
        %swap3A_415 = arith.constant 48 : index
        %swap3A_416 = tpu.vector_load %arg7[%swap3A_413, %swap3A_414, %swap3A_415] {strides = array<i32>} : memref<4x200x64xf32, #tpu.memory_space<vmem>>, vector<1x1x16xf32>,
        %swap3A_417 = vector.shape_cast %swap3A_416 : vector<1x1x16xf32> to vector<16xf32>
        %swap3A_418 = vector.shape_cast %get3A_411 : vector<16xf32> to vector<1x1x16xf32>
        tpu.vector_store %arg7[%swap3A_413, %swap3A_414, %swap3A_415], %swap3A_418 {add = true, strides = array<i32>} : memref<4x200x64xf32, #tpu.memory_space<vmem>>, vector<1x1x16xf32>,
        %scan3A_419 = arith.constant 1 : i32
        %scan3A_420 = arith.addi %scan3A_376, %scan3A_419 : i32
        %get3A_421 = arith.index_cast %scan3A_420 : i32 to index
        %get3A_422 = arith.constant 0 : index
        %get3A_423 = tpu.vector_load %arg8[%get3A_421, %get3A_422] {strides = array<i32>} : memref<200x64xf32, #tpu.memory_space<vmem>>, vector<1x16xf32>,
        %get3A_424 = vector.shape_cast %get3A_423 : vector<1x16xf32> to vector<16xf32>
        %swap3A_425 = arith.constant 0 : i32
        %swap3A_426 = arith.index_cast %swap3A_425 : i32 to index
        %swap3A_427 = arith.index_cast %scan3A_420 : i32 to index
        %swap3A_428 = arith.constant 0 : index
        %swap3A_429 = tpu.vector_load %arg7[%swap3A_426, %swap3A_427, %swap3A_428] {strides = array<i32>} : memref<4x200x64xf32, #tpu.memory_space<vmem>>, vector<1x1x16xf32>,
        %swap3A_430 = vector.shape_cast %swap3A_429 : vector<1x1x16xf32> to vector<16xf32>
        %swap3A_431 = vector.shape_cast %get3A_424 : vector<16xf32> to vector<1x1x16xf32>
        tpu.vector_store %arg7[%swap3A_426, %swap3A_427, %swap3A_428], %swap3A_431 {add = true, strides = array<i32>} : memref<4x200x64xf32, #tpu.memory_space<vmem>>, vector<1x1x16xf32>,
        %get3A_432 = arith.index_cast %scan3A_420 : i32 to index
        %get3A_433 = arith.constant 16 : index
        %get3A_434 = tpu.vector_load %arg8[%get3A_432, %get3A_433] {strides = array<i32>} : memref<200x64xf32, #tpu.memory_space<vmem>>, vector<1x16xf32>,
        %get3A_435 = vector.shape_cast %get3A_434 : vector<1x16xf32> to vector<16xf32>
        %swap3A_436 = arith.constant 0 : i32
        %swap3A_437 = arith.index_cast %swap3A_436 : i32 to index
        %swap3A_438 = arith.index_cast %scan3A_420 : i32 to index
        %swap3A_439 = arith.constant 16 : index
        %swap3A_440 = tpu.vector_load %arg7[%swap3A_437, %swap3A_438, %swap3A_439] {strides = array<i32>} : memref<4x200x64xf32, #tpu.memory_space<vmem>>, vector<1x1x16xf32>,
        %swap3A_441 = vector.shape_cast %swap3A_440 : vector<1x1x16xf32> to vector<16xf32>
        %swap3A_442 = vector.shape_cast %get3A_435 : vector<16xf32> to vector<1x1x16xf32>
        tpu.vector_store %arg7[%swap3A_437, %swap3A_438, %swap3A_439], %swap3A_442 {add = true, strides = array<i32>} : memref<4x200x64xf32, #tpu.memory_space<vmem>>, vector<1x1x16xf32>,
        %get3A_443 = arith.index_cast %scan3A_420 : i32 to index
        %get3A_444 = arith.constant 32 : index
        %get3A_445 = tpu.vector_load %arg8[%get3A_443, %get3A_444] {strides = array<i32>} : memref<200x64xf32, #tpu.memory_space<vmem>>, vector<1x16xf32>,
        %get3A_446 = vector.shape_cast %get3A_445 : vector<1x16xf32> to vector<16xf32>
        %swap3A_447 = arith.constant 0 : i32
        %swap3A_448 = arith.index_cast %swap3A_447 : i32 to index
        %swap3A_449 = arith.index_cast %scan3A_420 : i32 to index
        %swap3A_450 = arith.constant 32 : index
        %swap3A_451 = tpu.vector_load %arg7[%swap3A_448, %swap3A_449, %swap3A_450] {strides = array<i32>} : memref<4x200x64xf32, #tpu.memory_space<vmem>>, vector<1x1x16xf32>,
        %swap3A_452 = vector.shape_cast %swap3A_451 : vector<1x1x16xf32> to vector<16xf32>
        %swap3A_453 = vector.shape_cast %get3A_446 : vector<16xf32> to vector<1x1x16xf32>
        tpu.vector_store %arg7[%swap3A_448, %swap3A_449, %swap3A_450], %swap3A_453 {add = true, strides = array<i32>} : memref<4x200x64xf32, #tpu.memory_space<vmem>>, vector<1x1x16xf32>,
        %get3A_454 = arith.index_cast %scan3A_420 : i32 to index
        %get3A_455 = arith.constant 48 : index
        %get3A_456 = tpu.vector_load %arg8[%get3A_454, %get3A_455] {strides = array<i32>} : memref<200x64xf32, #tpu.memory_space<vmem>>, vector<1x16xf32>,
        %get3A_457 = vector.shape_cast %get3A_456 : vector<1x16xf32> to vector<16xf32>
        %swap3A_458 = arith.constant 0 : i32
        %swap3A_459 = arith.index_cast %swap3A_458 : i32 to index
        %swap3A_460 = arith.index_cast %scan3A_420 : i32 to index
        %swap3A_461 = arith.constant 48 : index
        %swap3A_462 = tpu.vector_load %arg7[%swap3A_459, %swap3A_460, %swap3A_461] {strides = array<i32>} : memref<4x200x64xf32, #tpu.memory_space<vmem>>, vector<1x1x16xf32>,
        %swap3A_463 = vector.shape_cast %swap3A_462 : vector<1x1x16xf32> to vector<16xf32>
        %swap3A_464 = vector.shape_cast %get3A_457 : vector<16xf32> to vector<1x1x16xf32>
        tpu.vector_store %arg7[%swap3A_459, %swap3A_460, %swap3A_461], %swap3A_464 {add = true, strides = array<i32>} : memref<4x200x64xf32, #tpu.memory_space<vmem>>, vector<1x1x16xf32>,
        %scan3A_465 = arith.constant 2 : i32
        %scan3A_466 = arith.addi %scan3A_376, %scan3A_465 : i32
        %get3A_467 = arith.index_cast %scan3A_466 : i32 to index
        %get3A_468 = arith.constant 0 : index
        %get3A_469 = tpu.vector_load %arg8[%get3A_467, %get3A_468] {strides = array<i32>} : memref<200x64xf32, #tpu.memory_space<vmem>>, vector<1x16xf32>,
        %get3A_470 = vector.shape_cast %get3A_469 : vector<1x16xf32> to vector<16xf32>
        %swap3A_471 = arith.constant 0 : i32
        %swap3A_472 = arith.index_cast %swap3A_471 : i32 to index
        %swap3A_473 = arith.index_cast %scan3A_466 : i32 to index
        %swap3A_474 = arith.constant 0 : index
        %swap3A_475 = tpu.vector_load %arg7[%swap3A_472, %swap3A_473, %swap3A_474] {strides = array<i32>} : memref<4x200x64xf32, #tpu.memory_space<vmem>>, vector<1x1x16xf32>,
        %swap3A_476 = vector.shape_cast %swap3A_475 : vector<1x1x16xf32> to vector<16xf32>
        %swap3A_477 = vector.shape_cast %get3A_470 : vector<16xf32> to vector<1x1x16xf32>
        tpu.vector_store %arg7[%swap3A_472, %swap3A_473, %swap3A_474], %swap3A_477 {add = true, strides = array<i32>} : memref<4x200x64xf32, #tpu.memory_space<vmem>>, vector<1x1x16xf32>,
        %get3A_478 = arith.index_cast %scan3A_466 : i32 to index
        %get3A_479 = arith.constant 16 : index
        %get3A_480 = tpu.vector_load %arg8[%get3A_478, %get3A_479] {strides = array<i32>} : memref<200x64xf32, #tpu.memory_space<vmem>>, vector<1x16xf32>,
        %get3A_481 = vector.shape_cast %get3A_480 : vector<1x16xf32> to vector<16xf32>
        %swap3A_482 = arith.constant 0 : i32
        %swap3A_483 = arith.index_cast %swap3A_482 : i32 to index
        %swap3A_484 = arith.index_cast %scan3A_466 : i32 to index
        %swap3A_485 = arith.constant 16 : index
        %swap3A_486 = tpu.vector_load %arg7[%swap3A_483, %swap3A_484, %swap3A_485] {strides = array<i32>} : memref<4x200x64xf32, #tpu.memory_space<vmem>>, vector<1x1x16xf32>,
        %swap3A_487 = vector.shape_cast %swap3A_486 : vector<1x1x16xf32> to vector<16xf32>
        %swap3A_488 = vector.shape_cast %get3A_481 : vector<16xf32> to vector<1x1x16xf32>
        tpu.vector_store %arg7[%swap3A_483, %swap3A_484, %swap3A_485], %swap3A_488 {add = true, strides = array<i32>} : memref<4x200x64xf32, #tpu.memory_space<vmem>>, vector<1x1x16xf32>,
        %get3A_489 = arith.index_cast %scan3A_466 : i32 to index
        %get3A_490 = arith.constant 32 : index
        %get3A_491 = tpu.vector_load %arg8[%get3A_489, %get3A_490] {strides = array<i32>} : memref<200x64xf32, #tpu.memory_space<vmem>>, vector<1x16xf32>,
        %get3A_492 = vector.shape_cast %get3A_491 : vector<1x16xf32> to vector<16xf32>
        %swap3A_493 = arith.constant 0 : i32
        %swap3A_494 = arith.index_cast %swap3A_493 : i32 to index
        %swap3A_495 = arith.index_cast %scan3A_466 : i32 to index
        %swap3A_496 = arith.constant 32 : index
        %swap3A_497 = tpu.vector_load %arg7[%swap3A_494, %swap3A_495, %swap3A_496] {strides = array<i32>} : memref<4x200x64xf32, #tpu.memory_space<vmem>>, vector<1x1x16xf32>,
        %swap3A_498 = vector.shape_cast %swap3A_497 : vector<1x1x16xf32> to vector<16xf32>
        %swap3A_499 = vector.shape_cast %get3A_492 : vector<16xf32> to vector<1x1x16xf32>
        tpu.vector_store %arg7[%swap3A_494, %swap3A_495, %swap3A_496], %swap3A_499 {add = true, strides = array<i32>} : memref<4x200x64xf32, #tpu.memory_space<vmem>>, vector<1x1x16xf32>,
        %get3A_500 = arith.index_cast %scan3A_466 : i32 to index
        %get3A_501 = arith.constant 48 : index
        %get3A_502 = tpu.vector_load %arg8[%get3A_500, %get3A_501] {strides = array<i32>} : memref<200x64xf32, #tpu.memory_space<vmem>>, vector<1x16xf32>,
        %get3A_503 = vector.shape_cast %get3A_502 : vector<1x16xf32> to vector<16xf32>
        %swap3A_504 = arith.constant 0 : i32
        %swap3A_505 = arith.index_cast %swap3A_504 : i32 to index
        %swap3A_506 = arith.index_cast %scan3A_466 : i32 to index
        %swap3A_507 = arith.constant 48 : index
        %swap3A_508 = tpu.vector_load %arg7[%swap3A_505, %swap3A_506, %swap3A_507] {strides = array<i32>} : memref<4x200x64xf32, #tpu.memory_space<vmem>>, vector<1x1x16xf32>,
        %swap3A_509 = vector.shape_cast %swap3A_508 : vector<1x1x16xf32> to vector<16xf32>
        %swap3A_510 = vector.shape_cast %get3A_503 : vector<16xf32> to vector<1x1x16xf32>
        tpu.vector_store %arg7[%swap3A_505, %swap3A_506, %swap3A_507], %swap3A_510 {add = true, strides = array<i32>} : memref<4x200x64xf32, #tpu.memory_space<vmem>>, vector<1x1x16xf32>,
        %scan3A_511 = arith.constant 3 : i32
        %scan3A_512 = arith.addi %scan3A_376, %scan3A_511 : i32
        %get3A_513 = arith.index_cast %scan3A_512 : i32 to index
        %get3A_514 = arith.constant 0 : index
        %get3A_515 = tpu.vector_load %arg8[%get3A_513, %get3A_514] {strides = array<i32>} : memref<200x64xf32, #tpu.memory_space<vmem>>, vector<1x16xf32>,
        %get3A_516 = vector.shape_cast %get3A_515 : vector<1x16xf32> to vector<16xf32>
        %swap3A_517 = arith.constant 0 : i32
        %swap3A_518 = arith.index_cast %swap3A_517 : i32 to index
        %swap3A_519 = arith.index_cast %scan3A_512 : i32 to index
        %swap3A_520 = arith.constant 0 : index
        %swap3A_521 = tpu.vector_load %arg7[%swap3A_518, %swap3A_519, %swap3A_520] {strides = array<i32>} : memref<4x200x64xf32, #tpu.memory_space<vmem>>, vector<1x1x16xf32>,
        %swap3A_522 = vector.shape_cast %swap3A_521 : vector<1x1x16xf32> to vector<16xf32>
        %swap3A_523 = vector.shape_cast %get3A_516 : vector<16xf32> to vector<1x1x16xf32>
        tpu.vector_store %arg7[%swap3A_518, %swap3A_519, %swap3A_520], %swap3A_523 {add = true, strides = array<i32>} : memref<4x200x64xf32, #tpu.memory_space<vmem>>, vector<1x1x16xf32>,
        %get3A_524 = arith.index_cast %scan3A_512 : i32 to index
        %get3A_525 = arith.constant 16 : index
        %get3A_526 = tpu.vector_load %arg8[%get3A_524, %get3A_525] {strides = array<i32>} : memref<200x64xf32, #tpu.memory_space<vmem>>, vector<1x16xf32>,
        %get3A_527 = vector.shape_cast %get3A_526 : vector<1x16xf32> to vector<16xf32>
        %swap3A_528 = arith.constant 0 : i32
        %swap3A_529 = arith.index_cast %swap3A_528 : i32 to index
        %swap3A_530 = arith.index_cast %scan3A_512 : i32 to index
        %swap3A_531 = arith.constant 16 : index
        %swap3A_532 = tpu.vector_load %arg7[%swap3A_529, %swap3A_530, %swap3A_531] {strides = array<i32>} : memref<4x200x64xf32, #tpu.memory_space<vmem>>, vector<1x1x16xf32>,
        %swap3A_533 = vector.shape_cast %swap3A_532 : vector<1x1x16xf32> to vector<16xf32>
        %swap3A_534 = vector.shape_cast %get3A_527 : vector<16xf32> to vector<1x1x16xf32>
        tpu.vector_store %arg7[%swap3A_529, %swap3A_530, %swap3A_531], %swap3A_534 {add = true, strides = array<i32>} : memref<4x200x64xf32, #tpu.memory_space<vmem>>, vector<1x1x16xf32>,
        %get3A_535 = arith.index_cast %scan3A_512 : i32 to index
        %get3A_536 = arith.constant 32 : index
        %get3A_537 = tpu.vector_load %arg8[%get3A_535, %get3A_536] {strides = array<i32>} : memref<200x64xf32, #tpu.memory_space<vmem>>, vector<1x16xf32>,
        %get3A_538 = vector.shape_cast %get3A_537 : vector<1x16xf32> to vector<16xf32>
        %swap3A_539 = arith.constant 0 : i32
        %swap3A_540 = arith.index_cast %swap3A_539 : i32 to index
        %swap3A_541 = arith.index_cast %scan3A_512 : i32 to index
        %swap3A_542 = arith.constant 32 : index
        %swap3A_543 = tpu.vector_load %arg7[%swap3A_540, %swap3A_541, %swap3A_542] {strides = array<i32>} : memref<4x200x64xf32, #tpu.memory_space<vmem>>, vector<1x1x16xf32>,
        %swap3A_544 = vector.shape_cast %swap3A_543 : vector<1x1x16xf32> to vector<16xf32>
        %swap3A_545 = vector.shape_cast %get3A_538 : vector<16xf32> to vector<1x1x16xf32>
        tpu.vector_store %arg7[%swap3A_540, %swap3A_541, %swap3A_542], %swap3A_545 {add = true, strides = array<i32>} : memref<4x200x64xf32, #tpu.memory_space<vmem>>, vector<1x1x16xf32>,
        %get3A_546 = arith.index_cast %scan3A_512 : i32 to index
        %get3A_547 = arith.constant 48 : index
        %get3A_548 = tpu.vector_load %arg8[%get3A_546, %get3A_547] {strides = array<i32>} : memref<200x64xf32, #tpu.memory_space<vmem>>, vector<1x16xf32>,
        %get3A_549 = vector.shape_cast %get3A_548 : vector<1x16xf32> to vector<16xf32>
        %swap3A_550 = arith.constant 0 : i32
        %swap3A_551 = arith.index_cast %swap3A_550 : i32 to index
        %swap3A_552 = arith.index_cast %scan3A_512 : i32 to index
        %swap3A_553 = arith.constant 48 : index
        %swap3A_554 = tpu.vector_load %arg7[%swap3A_551, %swap3A_552, %swap3A_553] {strides = array<i32>} : memref<4x200x64xf32, #tpu.memory_space<vmem>>, vector<1x1x16xf32>,
        %swap3A_555 = vector.shape_cast %swap3A_554 : vector<1x1x16xf32> to vector<16xf32>
        %swap3A_556 = vector.shape_cast %get3A_549 : vector<16xf32> to vector<1x1x16xf32>
        tpu.vector_store %arg7[%swap3A_551, %swap3A_552, %swap3A_553], %swap3A_556 {add = true, strides = array<i32>} : memref<4x200x64xf32, #tpu.memory_space<vmem>>, vector<1x1x16xf32>,
      }
      %scan3A_160 = arith.constant 200 : i32
      %add3A_161 = arith.addi %mul3A_2, %add3A_139 : i32
      %dma_start3A_162 = arith.constant 0 : i32
      %dma_start3A_163 = arith.constant 0 : i32
      %dma_start3A_164 = arith.constant 0 : i32
      %dma_start3A_165 = arith.constant 0 : i32
      %dma_start3A_166 = tpu.memref_slice %arg7[%dma_start3A_162, %dma_start3A_164, %dma_start3A_165] : memref<4x200x64xf32, #tpu.memory_space<vmem>> -> memref<1x200x64xf32, #tpu.memory_space<vmem>>
      %dma_start3A_167 = tpu.memref_squeeze %dma_start3A_166 : memref<1x200x64xf32, #tpu.memory_space<vmem>> -> memref<200x64xf32, #tpu.memory_space<vmem>>
      %dma_start3A_168 = arith.constant 0 : i32
      %dma_start3A_169 = arith.constant 0 : i32
      %dma_start3A_170 = tpu.memref_slice %arg5[%add3A_161, %dma_start3A_168, %dma_start3A_169] : memref<4096x200x64xf32, #tpu.memory_space<hbm>> -> memref<1x200x64xf32, #tpu.memory_space<hbm>>
      %dma_start3A_171 = tpu.memref_squeeze %dma_start3A_170 : memref<1x200x64xf32, #tpu.memory_space<hbm>> -> memref<200x64xf32, #tpu.memory_space<hbm>>
      %dma_start3A_172 = tpu.memref_slice %arg10[%dma_start3A_163] : memref<4x!tpu.dma_semaphore, #tpu.memory_space<semaphore_mem>> -> memref<1x!tpu.dma_semaphore, #tpu.memory_space<semaphore_mem>>
      %dma_start3A_173 = tpu.memref_squeeze %dma_start3A_172 : memref<1x!tpu.dma_semaphore, #tpu.memory_space<semaphore_mem>> -> memref<!tpu.dma_semaphore, #tpu.memory_space<semaphore_mem>>
      %dma_start3A_174 = arith.constant 0 : i32
      %dma_start3A_175 = arith.constant 0 : i32
      %dma_start3A_176 = tpu.memref_slice %arg5[%add3A_161, %dma_start3A_174, %dma_start3A_175] : memref<4096x200x64xf32, #tpu.memory_space<hbm>> -> memref<1x200x64xf32, #tpu.memory_space<hbm>>
      %dma_start3A_177 = tpu.memref_squeeze %dma_start3A_176 : memref<1x200x64xf32, #tpu.memory_space<hbm>> -> memref<200x64xf32, #tpu.memory_space<hbm>>
      %dma_start3A_178 = arith.constant 0 : i32
      %dma_start3A_179 = arith.constant 0 : i32
      %dma_start3A_180 = tpu.memref_slice %arg7[%dma_start3A_162, %dma_start3A_178, %dma_start3A_179] : memref<4x200x64xf32, #tpu.memory_space<vmem>> -> memref<1x200x64xf32, #tpu.memory_space<vmem>>
      %dma_start3A_181 = tpu.memref_squeeze %dma_start3A_180 : memref<1x200x64xf32, #tpu.memory_space<vmem>> -> memref<200x64xf32, #tpu.memory_space<vmem>>
      tpu.enqueue_dma source(%dma_start3A_181 : memref<200x64xf32, #tpu.memory_space<vmem>>) target(%dma_start3A_177 : memref<200x64xf32, #tpu.memory_space<hbm>>) target_semaphore(%dma_start3A_173 : memref<!tpu.dma_semaphore, #tpu.memory_space<semaphore_mem>>)
      %add3A_182 = arith.constant 4 : i32
      %add3A_183 = arith.addi %add3A_139, %add3A_182 : i32
      %sub3A = arith.constant 1 : i32
      %sub3A_184 = arith.subi %add3A_183, %sub3A : i32
      %lt3A = arith.constant 128 : i32
      %lt3A_185 = arith.cmpi slt, %sub3A_184, %lt3A : i32
      %ge3A = arith.constant 1 : i32
      %ge3A_186 = arith.cmpi sge, %add3A_139, %ge3A : i32
      %and3A = arith.andi %lt3A_185, %ge3A_186 : i1
      %convert_element_type3A = arith.extui %and3A : i1 to i32
      %cond3A = arith.constant 0 : i32
      %cond3A_187 = arith.cmpi ne, %convert_element_type3A, %cond3A : i32
      scf.if %cond3A_187 {
        %dma_wait3A_376 = arith.constant 3 : i32
        %dma_wait3A_377 = arith.constant 0 : i32
        %dma_wait3A_378 = arith.constant 3 : i32
        %dma_wait3A_379 = arith.constant 0 : i32
        %dma_wait3A_380 = arith.constant 0 : i32
        %dma_wait3A_381 = tpu.memref_slice %arg7[%dma_wait3A_376, %dma_wait3A_379, %dma_wait3A_380] : memref<4x200x64xf32, #tpu.memory_space<vmem>> -> memref<1x200x64xf32, #tpu.memory_space<vmem>>
        %dma_wait3A_382 = tpu.memref_squeeze %dma_wait3A_381 : memref<1x200x64xf32, #tpu.memory_space<vmem>> -> memref<200x64xf32, #tpu.memory_space<vmem>>
        %dma_wait3A_383 = arith.constant 0 : i32
        %dma_wait3A_384 = arith.constant 0 : i32
        %dma_wait3A_385 = tpu.memref_slice %arg5[%dma_wait3A_377, %dma_wait3A_383, %dma_wait3A_384] : memref<4096x200x64xf32, #tpu.memory_space<hbm>> -> memref<1x200x64xf32, #tpu.memory_space<hbm>>
        %dma_wait3A_386 = tpu.memref_squeeze %dma_wait3A_385 : memref<1x200x64xf32, #tpu.memory_space<hbm>> -> memref<200x64xf32, #tpu.memory_space<hbm>>
        %dma_wait3A_387 = tpu.memref_slice %arg10[%dma_wait3A_378] : memref<4x!tpu.dma_semaphore, #tpu.memory_space<semaphore_mem>> -> memref<1x!tpu.dma_semaphore, #tpu.memory_space<semaphore_mem>>
        %dma_wait3A_388 = tpu.memref_squeeze %dma_wait3A_387 : memref<1x!tpu.dma_semaphore, #tpu.memory_space<semaphore_mem>> -> memref<!tpu.dma_semaphore, #tpu.memory_space<semaphore_mem>>
        %dma_wait3A_389 = arith.constant 0 : i32
        %dma_wait3A_390 = arith.constant 0 : i32
        %dma_wait3A_391 = tpu.memref_slice %arg5[%dma_wait3A_377, %dma_wait3A_389, %dma_wait3A_390] : memref<4096x200x64xf32, #tpu.memory_space<hbm>> -> memref<1x200x64xf32, #tpu.memory_space<hbm>>
        %dma_wait3A_392 = tpu.memref_squeeze %dma_wait3A_391 : memref<1x200x64xf32, #tpu.memory_space<hbm>> -> memref<200x64xf32, #tpu.memory_space<hbm>>
        %dma_wait3A_393 = arith.constant 0 : i32
        %dma_wait3A_394 = arith.constant 0 : i32
        %dma_wait3A_395 = tpu.memref_slice %arg7[%dma_wait3A_376, %dma_wait3A_393, %dma_wait3A_394] : memref<4x200x64xf32, #tpu.memory_space<vmem>> -> memref<1x200x64xf32, #tpu.memory_space<vmem>>
        %dma_wait3A_396 = tpu.memref_squeeze %dma_wait3A_395 : memref<1x200x64xf32, #tpu.memory_space<vmem>> -> memref<200x64xf32, #tpu.memory_space<vmem>>
        tpu.wait_dma2 semaphore(%dma_wait3A_388 : memref<!tpu.dma_semaphore, #tpu.memory_space<semaphore_mem>>) src(%dma_wait3A_396 : memref<200x64xf32, #tpu.memory_space<vmem>>) dst(%dma_wait3A_392 : memref<200x64xf32, #tpu.memory_space<hbm>>)
      } else {
      }
      %lt3A_188 = arith.constant 128 : i32
      %lt3A_189 = arith.cmpi slt, %sub3A_184, %lt3A_188 : i32
      %convert_element_type3A_190 = arith.extui %lt3A_189 : i1 to i32
      %cond3A_191 = arith.constant 0 : i32
      %cond3A_192 = arith.cmpi ne, %convert_element_type3A_190, %cond3A_191 : i32
      scf.if %cond3A_192 {
        %dma_start3A_376 = arith.constant 3 : i32
        %dma_start3A_377 = arith.constant 3 : i32
        %dma_start3A_378 = arith.constant 0 : i32
        %dma_start3A_379 = arith.constant 0 : i32
        %dma_start3A_380 = tpu.memref_slice %arg7[%dma_start3A_376, %dma_start3A_378, %dma_start3A_379] : memref<4x200x64xf32, #tpu.memory_space<vmem>> -> memref<1x200x64xf32, #tpu.memory_space<vmem>>
        %dma_start3A_381 = tpu.memref_squeeze %dma_start3A_380 : memref<1x200x64xf32, #tpu.memory_space<vmem>> -> memref<200x64xf32, #tpu.memory_space<vmem>>
        %dma_start3A_382 = arith.constant 0 : i32
        %dma_start3A_383 = tpu.memref_slice %arg6[%sub3A_184, %dma_start3A_382] : memref<128x200xi32, #tpu.memory_space<vmem>> -> memref<1x200xi32, #tpu.memory_space<vmem>>
        %dma_start3A_384 = tpu.memref_squeeze %dma_start3A_383 : memref<1x200xi32, #tpu.memory_space<vmem>> -> memref<200xi32, #tpu.memory_space<vmem>>
        %dma_start3A_385 = arith.constant 0 : i32
        %dma_start3A_386 = arith.constant 0 : i32
        %dma_start3A_387 = tpu.memref_slice %arg2[%dma_start3A_385, %dma_start3A_386] : memref<1000000x64xf32, #tpu.memory_space<hbm>> -> memref<1000000x64xf32, #tpu.memory_space<hbm>>
        %dma_start3A_388 = tpu.memref_slice %arg9[%dma_start3A_377] : memref<4x!tpu.dma_semaphore, #tpu.memory_space<semaphore_mem>> -> memref<1x!tpu.dma_semaphore, #tpu.memory_space<semaphore_mem>>
        %dma_start3A_389 = tpu.memref_squeeze %dma_start3A_388 : memref<1x!tpu.dma_semaphore, #tpu.memory_space<semaphore_mem>> -> memref<!tpu.dma_semaphore, #tpu.memory_space<semaphore_mem>>
        tpu.enqueue_indirect_dma source(%dma_start3A_387 : memref<1000000x64xf32, #tpu.memory_space<hbm>>) target(%dma_start3A_381 : memref<200x64xf32, #tpu.memory_space<vmem>>) offsets(%dma_start3A_384 : memref<200xi32, #tpu.memory_space<vmem>>) semaphore(%dma_start3A_389 : memref<!tpu.dma_semaphore, #tpu.memory_space<semaphore_mem>>)
      } else {
      }
      %add3A_193 = arith.constant 1 : i32
      %add3A_194 = arith.addi %mul3A_137, %add3A_193 : i32
      %dma_wait3A_195 = arith.constant 0 : i32
      %dma_wait3A_196 = arith.constant 1 : i32
      %dma_wait3A_197 = arith.constant 1 : i32
      %dma_wait3A_198 = arith.constant 0 : i32
      %dma_wait3A_199 = arith.constant 0 : i32
      %dma_wait3A_200 = tpu.memref_slice %arg7[%dma_wait3A_196, %dma_wait3A_198, %dma_wait3A_199] : memref<4x200x64xf32, #tpu.memory_space<vmem>> -> memref<1x200x64xf32, #tpu.memory_space<vmem>>
      %dma_wait3A_201 = tpu.memref_squeeze %dma_wait3A_200 : memref<1x200x64xf32, #tpu.memory_space<vmem>> -> memref<200x64xf32, #tpu.memory_space<vmem>>
      %dma_wait3A_202 = arith.constant 0 : i32
      %dma_wait3A_203 = tpu.memref_slice %arg6[%dma_wait3A_195, %dma_wait3A_202] : memref<128x200xi32, #tpu.memory_space<vmem>> -> memref<1x200xi32, #tpu.memory_space<vmem>>
      %dma_wait3A_204 = tpu.memref_squeeze %dma_wait3A_203 : memref<1x200xi32, #tpu.memory_space<vmem>> -> memref<200xi32, #tpu.memory_space<vmem>>
      %dma_wait3A_205 = arith.constant 0 : i32
      %dma_wait3A_206 = arith.constant 0 : i32
      %dma_wait3A_207 = tpu.memref_slice %arg2[%dma_wait3A_205, %dma_wait3A_206] : memref<1000000x64xf32, #tpu.memory_space<hbm>> -> memref<1000000x64xf32, #tpu.memory_space<hbm>>
      %dma_wait3A_208 = tpu.memref_slice %arg9[%dma_wait3A_197] : memref<4x!tpu.dma_semaphore, #tpu.memory_space<semaphore_mem>> -> memref<1x!tpu.dma_semaphore, #tpu.memory_space<semaphore_mem>>
      %dma_wait3A_209 = tpu.memref_squeeze %dma_wait3A_208 : memref<1x!tpu.dma_semaphore, #tpu.memory_space<semaphore_mem>> -> memref<!tpu.dma_semaphore, #tpu.memory_space<semaphore_mem>>
      tpu.wait_indirect_dma semaphore(%dma_wait3A_209 : memref<!tpu.dma_semaphore, #tpu.memory_space<semaphore_mem>>) src(%dma_wait3A_207 : memref<1000000x64xf32, #tpu.memory_space<hbm>>) dst(%dma_wait3A_201 : memref<200x64xf32, #tpu.memory_space<vmem>>)
      %scan3A_210 = arith.constant 0 : i32
      %scan3A_211 = arith.constant 0 : i32
      %scan3A_212 = arith.constant 200 : i32
      %scan3A_213 = arith.addi %scan3A_211, %scan3A_212 : i32
      %scan3A_214 = arith.constant 4 : i32
      scf.for %scan3A_376 = %scan3A_211 to %scan3A_213 step %scan3A_214  : i32 {
        %get3A = arith.index_cast %scan3A_376 : i32 to index
        %get3A_377 = arith.constant 0 : index
        %get3A_378 = tpu.vector_load %arg8[%get3A, %get3A_377] {strides = array<i32>} : memref<200x64xf32, #tpu.memory_space<vmem>>, vector<1x16xf32>,
        %get3A_379 = vector.shape_cast %get3A_378 : vector<1x16xf32> to vector<16xf32>
        %swap3A = arith.constant 1 : i32
        %swap3A_380 = arith.index_cast %swap3A : i32 to index
        %swap3A_381 = arith.index_cast %scan3A_376 : i32 to index
        %swap3A_382 = arith.constant 0 : index
        %swap3A_383 = tpu.vector_load %arg7[%swap3A_380, %swap3A_381, %swap3A_382] {strides = array<i32>} : memref<4x200x64xf32, #tpu.memory_space<vmem>>, vector<1x1x16xf32>,
        %swap3A_384 = vector.shape_cast %swap3A_383 : vector<1x1x16xf32> to vector<16xf32>
        %swap3A_385 = vector.shape_cast %get3A_379 : vector<16xf32> to vector<1x1x16xf32>
        tpu.vector_store %arg7[%swap3A_380, %swap3A_381, %swap3A_382], %swap3A_385 {add = true, strides = array<i32>} : memref<4x200x64xf32, #tpu.memory_space<vmem>>, vector<1x1x16xf32>,
        %get3A_386 = arith.index_cast %scan3A_376 : i32 to index
        %get3A_387 = arith.constant 16 : index
        %get3A_388 = tpu.vector_load %arg8[%get3A_386, %get3A_387] {strides = array<i32>} : memref<200x64xf32, #tpu.memory_space<vmem>>, vector<1x16xf32>,
        %get3A_389 = vector.shape_cast %get3A_388 : vector<1x16xf32> to vector<16xf32>
        %swap3A_390 = arith.constant 1 : i32
        %swap3A_391 = arith.index_cast %swap3A_390 : i32 to index
        %swap3A_392 = arith.index_cast %scan3A_376 : i32 to index
        %swap3A_393 = arith.constant 16 : index
        %swap3A_394 = tpu.vector_load %arg7[%swap3A_391, %swap3A_392, %swap3A_393] {strides = array<i32>} : memref<4x200x64xf32, #tpu.memory_space<vmem>>, vector<1x1x16xf32>,
        %swap3A_395 = vector.shape_cast %swap3A_394 : vector<1x1x16xf32> to vector<16xf32>
        %swap3A_396 = vector.shape_cast %get3A_389 : vector<16xf32> to vector<1x1x16xf32>
        tpu.vector_store %arg7[%swap3A_391, %swap3A_392, %swap3A_393], %swap3A_396 {add = true, strides = array<i32>} : memref<4x200x64xf32, #tpu.memory_space<vmem>>, vector<1x1x16xf32>,
        %get3A_397 = arith.index_cast %scan3A_376 : i32 to index
        %get3A_398 = arith.constant 32 : index
        %get3A_399 = tpu.vector_load %arg8[%get3A_397, %get3A_398] {strides = array<i32>} : memref<200x64xf32, #tpu.memory_space<vmem>>, vector<1x16xf32>,
        %get3A_400 = vector.shape_cast %get3A_399 : vector<1x16xf32> to vector<16xf32>
        %swap3A_401 = arith.constant 1 : i32
        %swap3A_402 = arith.index_cast %swap3A_401 : i32 to index
        %swap3A_403 = arith.index_cast %scan3A_376 : i32 to index
        %swap3A_404 = arith.constant 32 : index
        %swap3A_405 = tpu.vector_load %arg7[%swap3A_402, %swap3A_403, %swap3A_404] {strides = array<i32>} : memref<4x200x64xf32, #tpu.memory_space<vmem>>, vector<1x1x16xf32>,
        %swap3A_406 = vector.shape_cast %swap3A_405 : vector<1x1x16xf32> to vector<16xf32>
        %swap3A_407 = vector.shape_cast %get3A_400 : vector<16xf32> to vector<1x1x16xf32>
        tpu.vector_store %arg7[%swap3A_402, %swap3A_403, %swap3A_404], %swap3A_407 {add = true, strides = array<i32>} : memref<4x200x64xf32, #tpu.memory_space<vmem>>, vector<1x1x16xf32>,
        %get3A_408 = arith.index_cast %scan3A_376 : i32 to index
        %get3A_409 = arith.constant 48 : index
        %get3A_410 = tpu.vector_load %arg8[%get3A_408, %get3A_409] {strides = array<i32>} : memref<200x64xf32, #tpu.memory_space<vmem>>, vector<1x16xf32>,
        %get3A_411 = vector.shape_cast %get3A_410 : vector<1x16xf32> to vector<16xf32>
        %swap3A_412 = arith.constant 1 : i32
        %swap3A_413 = arith.index_cast %swap3A_412 : i32 to index
        %swap3A_414 = arith.index_cast %scan3A_376 : i32 to index
        %swap3A_415 = arith.constant 48 : index
        %swap3A_416 = tpu.vector_load %arg7[%swap3A_413, %swap3A_414, %swap3A_415] {strides = array<i32>} : memref<4x200x64xf32, #tpu.memory_space<vmem>>, vector<1x1x16xf32>,
        %swap3A_417 = vector.shape_cast %swap3A_416 : vector<1x1x16xf32> to vector<16xf32>
        %swap3A_418 = vector.shape_cast %get3A_411 : vector<16xf32> to vector<1x1x16xf32>
        tpu.vector_store %arg7[%swap3A_413, %swap3A_414, %swap3A_415], %swap3A_418 {add = true, strides = array<i32>} : memref<4x200x64xf32, #tpu.memory_space<vmem>>, vector<1x1x16xf32>,
        %scan3A_419 = arith.constant 1 : i32
        %scan3A_420 = arith.addi %scan3A_376, %scan3A_419 : i32
        %get3A_421 = arith.index_cast %scan3A_420 : i32 to index
        %get3A_422 = arith.constant 0 : index
        %get3A_423 = tpu.vector_load %arg8[%get3A_421, %get3A_422] {strides = array<i32>} : memref<200x64xf32, #tpu.memory_space<vmem>>, vector<1x16xf32>,
        %get3A_424 = vector.shape_cast %get3A_423 : vector<1x16xf32> to vector<16xf32>
        %swap3A_425 = arith.constant 1 : i32
        %swap3A_426 = arith.index_cast %swap3A_425 : i32 to index
        %swap3A_427 = arith.index_cast %scan3A_420 : i32 to index
        %swap3A_428 = arith.constant 0 : index
        %swap3A_429 = tpu.vector_load %arg7[%swap3A_426, %swap3A_427, %swap3A_428] {strides = array<i32>} : memref<4x200x64xf32, #tpu.memory_space<vmem>>, vector<1x1x16xf32>,
        %swap3A_430 = vector.shape_cast %swap3A_429 : vector<1x1x16xf32> to vector<16xf32>
        %swap3A_431 = vector.shape_cast %get3A_424 : vector<16xf32> to vector<1x1x16xf32>
        tpu.vector_store %arg7[%swap3A_426, %swap3A_427, %swap3A_428], %swap3A_431 {add = true, strides = array<i32>} : memref<4x200x64xf32, #tpu.memory_space<vmem>>, vector<1x1x16xf32>,
        %get3A_432 = arith.index_cast %scan3A_420 : i32 to index
        %get3A_433 = arith.constant 16 : index
        %get3A_434 = tpu.vector_load %arg8[%get3A_432, %get3A_433] {strides = array<i32>} : memref<200x64xf32, #tpu.memory_space<vmem>>, vector<1x16xf32>,
        %get3A_435 = vector.shape_cast %get3A_434 : vector<1x16xf32> to vector<16xf32>
        %swap3A_436 = arith.constant 1 : i32
        %swap3A_437 = arith.index_cast %swap3A_436 : i32 to index
        %swap3A_438 = arith.index_cast %scan3A_420 : i32 to index
        %swap3A_439 = arith.constant 16 : index
        %swap3A_440 = tpu.vector_load %arg7[%swap3A_437, %swap3A_438, %swap3A_439] {strides = array<i32>} : memref<4x200x64xf32, #tpu.memory_space<vmem>>, vector<1x1x16xf32>,
        %swap3A_441 = vector.shape_cast %swap3A_440 : vector<1x1x16xf32> to vector<16xf32>
        %swap3A_442 = vector.shape_cast %get3A_435 : vector<16xf32> to vector<1x1x16xf32>
        tpu.vector_store %arg7[%swap3A_437, %swap3A_438, %swap3A_439], %swap3A_442 {add = true, strides = array<i32>} : memref<4x200x64xf32, #tpu.memory_space<vmem>>, vector<1x1x16xf32>,
        %get3A_443 = arith.index_cast %scan3A_420 : i32 to index
        %get3A_444 = arith.constant 32 : index
        %get3A_445 = tpu.vector_load %arg8[%get3A_443, %get3A_444] {strides = array<i32>} : memref<200x64xf32, #tpu.memory_space<vmem>>, vector<1x16xf32>,
        %get3A_446 = vector.shape_cast %get3A_445 : vector<1x16xf32> to vector<16xf32>
        %swap3A_447 = arith.constant 1 : i32
        %swap3A_448 = arith.index_cast %swap3A_447 : i32 to index
        %swap3A_449 = arith.index_cast %scan3A_420 : i32 to index
        %swap3A_450 = arith.constant 32 : index
        %swap3A_451 = tpu.vector_load %arg7[%swap3A_448, %swap3A_449, %swap3A_450] {strides = array<i32>} : memref<4x200x64xf32, #tpu.memory_space<vmem>>, vector<1x1x16xf32>,
        %swap3A_452 = vector.shape_cast %swap3A_451 : vector<1x1x16xf32> to vector<16xf32>
        %swap3A_453 = vector.shape_cast %get3A_446 : vector<16xf32> to vector<1x1x16xf32>
        tpu.vector_store %arg7[%swap3A_448, %swap3A_449, %swap3A_450], %swap3A_453 {add = true, strides = array<i32>} : memref<4x200x64xf32, #tpu.memory_space<vmem>>, vector<1x1x16xf32>,
        %get3A_454 = arith.index_cast %scan3A_420 : i32 to index
        %get3A_455 = arith.constant 48 : index
        %get3A_456 = tpu.vector_load %arg8[%get3A_454, %get3A_455] {strides = array<i32>} : memref<200x64xf32, #tpu.memory_space<vmem>>, vector<1x16xf32>,
        %get3A_457 = vector.shape_cast %get3A_456 : vector<1x16xf32> to vector<16xf32>
        %swap3A_458 = arith.constant 1 : i32
        %swap3A_459 = arith.index_cast %swap3A_458 : i32 to index
        %swap3A_460 = arith.index_cast %scan3A_420 : i32 to index
        %swap3A_461 = arith.constant 48 : index
        %swap3A_462 = tpu.vector_load %arg7[%swap3A_459, %swap3A_460, %swap3A_461] {strides = array<i32>} : memref<4x200x64xf32, #tpu.memory_space<vmem>>, vector<1x1x16xf32>,
        %swap3A_463 = vector.shape_cast %swap3A_462 : vector<1x1x16xf32> to vector<16xf32>
        %swap3A_464 = vector.shape_cast %get3A_457 : vector<16xf32> to vector<1x1x16xf32>
        tpu.vector_store %arg7[%swap3A_459, %swap3A_460, %swap3A_461], %swap3A_464 {add = true, strides = array<i32>} : memref<4x200x64xf32, #tpu.memory_space<vmem>>, vector<1x1x16xf32>,
        %scan3A_465 = arith.constant 2 : i32
        %scan3A_466 = arith.addi %scan3A_376, %scan3A_465 : i32
        %get3A_467 = arith.index_cast %scan3A_466 : i32 to index
        %get3A_468 = arith.constant 0 : index
        %get3A_469 = tpu.vector_load %arg8[%get3A_467, %get3A_468] {strides = array<i32>} : memref<200x64xf32, #tpu.memory_space<vmem>>, vector<1x16xf32>,
        %get3A_470 = vector.shape_cast %get3A_469 : vector<1x16xf32> to vector<16xf32>
        %swap3A_471 = arith.constant 1 : i32
        %swap3A_472 = arith.index_cast %swap3A_471 : i32 to index
        %swap3A_473 = arith.index_cast %scan3A_466 : i32 to index
        %swap3A_474 = arith.constant 0 : index
        %swap3A_475 = tpu.vector_load %arg7[%swap3A_472, %swap3A_473, %swap3A_474] {strides = array<i32>} : memref<4x200x64xf32, #tpu.memory_space<vmem>>, vector<1x1x16xf32>,
        %swap3A_476 = vector.shape_cast %swap3A_475 : vector<1x1x16xf32> to vector<16xf32>
        %swap3A_477 = vector.shape_cast %get3A_470 : vector<16xf32> to vector<1x1x16xf32>
        tpu.vector_store %arg7[%swap3A_472, %swap3A_473, %swap3A_474], %swap3A_477 {add = true, strides = array<i32>} : memref<4x200x64xf32, #tpu.memory_space<vmem>>, vector<1x1x16xf32>,
        %get3A_478 = arith.index_cast %scan3A_466 : i32 to index
        %get3A_479 = arith.constant 16 : index
        %get3A_480 = tpu.vector_load %arg8[%get3A_478, %get3A_479] {strides = array<i32>} : memref<200x64xf32, #tpu.memory_space<vmem>>, vector<1x16xf32>,
        %get3A_481 = vector.shape_cast %get3A_480 : vector<1x16xf32> to vector<16xf32>
        %swap3A_482 = arith.constant 1 : i32
        %swap3A_483 = arith.index_cast %swap3A_482 : i32 to index
        %swap3A_484 = arith.index_cast %scan3A_466 : i32 to index
        %swap3A_485 = arith.constant 16 : index
        %swap3A_486 = tpu.vector_load %arg7[%swap3A_483, %swap3A_484, %swap3A_485] {strides = array<i32>} : memref<4x200x64xf32, #tpu.memory_space<vmem>>, vector<1x1x16xf32>,
        %swap3A_487 = vector.shape_cast %swap3A_486 : vector<1x1x16xf32> to vector<16xf32>
        %swap3A_488 = vector.shape_cast %get3A_481 : vector<16xf32> to vector<1x1x16xf32>
        tpu.vector_store %arg7[%swap3A_483, %swap3A_484, %swap3A_485], %swap3A_488 {add = true, strides = array<i32>} : memref<4x200x64xf32, #tpu.memory_space<vmem>>, vector<1x1x16xf32>,
        %get3A_489 = arith.index_cast %scan3A_466 : i32 to index
        %get3A_490 = arith.constant 32 : index
        %get3A_491 = tpu.vector_load %arg8[%get3A_489, %get3A_490] {strides = array<i32>} : memref<200x64xf32, #tpu.memory_space<vmem>>, vector<1x16xf32>,
        %get3A_492 = vector.shape_cast %get3A_491 : vector<1x16xf32> to vector<16xf32>
        %swap3A_493 = arith.constant 1 : i32
        %swap3A_494 = arith.index_cast %swap3A_493 : i32 to index
        %swap3A_495 = arith.index_cast %scan3A_466 : i32 to index
        %swap3A_496 = arith.constant 32 : index
        %swap3A_497 = tpu.vector_load %arg7[%swap3A_494, %swap3A_495, %swap3A_496] {strides = array<i32>} : memref<4x200x64xf32, #tpu.memory_space<vmem>>, vector<1x1x16xf32>,
        %swap3A_498 = vector.shape_cast %swap3A_497 : vector<1x1x16xf32> to vector<16xf32>
        %swap3A_499 = vector.shape_cast %get3A_492 : vector<16xf32> to vector<1x1x16xf32>
        tpu.vector_store %arg7[%swap3A_494, %swap3A_495, %swap3A_496], %swap3A_499 {add = true, strides = array<i32>} : memref<4x200x64xf32, #tpu.memory_space<vmem>>, vector<1x1x16xf32>,
        %get3A_500 = arith.index_cast %scan3A_466 : i32 to index
        %get3A_501 = arith.constant 48 : index
        %get3A_502 = tpu.vector_load %arg8[%get3A_500, %get3A_501] {strides = array<i32>} : memref<200x64xf32, #tpu.memory_space<vmem>>, vector<1x16xf32>,
        %get3A_503 = vector.shape_cast %get3A_502 : vector<1x16xf32> to vector<16xf32>
        %swap3A_504 = arith.constant 1 : i32
        %swap3A_505 = arith.index_cast %swap3A_504 : i32 to index
        %swap3A_506 = arith.index_cast %scan3A_466 : i32 to index
        %swap3A_507 = arith.constant 48 : index
        %swap3A_508 = tpu.vector_load %arg7[%swap3A_505, %swap3A_506, %swap3A_507] {strides = array<i32>} : memref<4x200x64xf32, #tpu.memory_space<vmem>>, vector<1x1x16xf32>,
        %swap3A_509 = vector.shape_cast %swap3A_508 : vector<1x1x16xf32> to vector<16xf32>
        %swap3A_510 = vector.shape_cast %get3A_503 : vector<16xf32> to vector<1x1x16xf32>
        tpu.vector_store %arg7[%swap3A_505, %swap3A_506, %swap3A_507], %swap3A_510 {add = true, strides = array<i32>} : memref<4x200x64xf32, #tpu.memory_space<vmem>>, vector<1x1x16xf32>,
        %scan3A_511 = arith.constant 3 : i32
        %scan3A_512 = arith.addi %scan3A_376, %scan3A_511 : i32
        %get3A_513 = arith.index_cast %scan3A_512 : i32 to index
        %get3A_514 = arith.constant 0 : index
        %get3A_515 = tpu.vector_load %arg8[%get3A_513, %get3A_514] {strides = array<i32>} : memref<200x64xf32, #tpu.memory_space<vmem>>, vector<1x16xf32>,
        %get3A_516 = vector.shape_cast %get3A_515 : vector<1x16xf32> to vector<16xf32>
        %swap3A_517 = arith.constant 1 : i32
        %swap3A_518 = arith.index_cast %swap3A_517 : i32 to index
        %swap3A_519 = arith.index_cast %scan3A_512 : i32 to index
        %swap3A_520 = arith.constant 0 : index
        %swap3A_521 = tpu.vector_load %arg7[%swap3A_518, %swap3A_519, %swap3A_520] {strides = array<i32>} : memref<4x200x64xf32, #tpu.memory_space<vmem>>, vector<1x1x16xf32>,
        %swap3A_522 = vector.shape_cast %swap3A_521 : vector<1x1x16xf32> to vector<16xf32>
        %swap3A_523 = vector.shape_cast %get3A_516 : vector<16xf32> to vector<1x1x16xf32>
        tpu.vector_store %arg7[%swap3A_518, %swap3A_519, %swap3A_520], %swap3A_523 {add = true, strides = array<i32>} : memref<4x200x64xf32, #tpu.memory_space<vmem>>, vector<1x1x16xf32>,
        %get3A_524 = arith.index_cast %scan3A_512 : i32 to index
        %get3A_525 = arith.constant 16 : index
        %get3A_526 = tpu.vector_load %arg8[%get3A_524, %get3A_525] {strides = array<i32>} : memref<200x64xf32, #tpu.memory_space<vmem>>, vector<1x16xf32>,
        %get3A_527 = vector.shape_cast %get3A_526 : vector<1x16xf32> to vector<16xf32>
        %swap3A_528 = arith.constant 1 : i32
        %swap3A_529 = arith.index_cast %swap3A_528 : i32 to index
        %swap3A_530 = arith.index_cast %scan3A_512 : i32 to index
        %swap3A_531 = arith.constant 16 : index
        %swap3A_532 = tpu.vector_load %arg7[%swap3A_529, %swap3A_530, %swap3A_531] {strides = array<i32>} : memref<4x200x64xf32, #tpu.memory_space<vmem>>, vector<1x1x16xf32>,
        %swap3A_533 = vector.shape_cast %swap3A_532 : vector<1x1x16xf32> to vector<16xf32>
        %swap3A_534 = vector.shape_cast %get3A_527 : vector<16xf32> to vector<1x1x16xf32>
        tpu.vector_store %arg7[%swap3A_529, %swap3A_530, %swap3A_531], %swap3A_534 {add = true, strides = array<i32>} : memref<4x200x64xf32, #tpu.memory_space<vmem>>, vector<1x1x16xf32>,
        %get3A_535 = arith.index_cast %scan3A_512 : i32 to index
        %get3A_536 = arith.constant 32 : index
        %get3A_537 = tpu.vector_load %arg8[%get3A_535, %get3A_536] {strides = array<i32>} : memref<200x64xf32, #tpu.memory_space<vmem>>, vector<1x16xf32>,
        %get3A_538 = vector.shape_cast %get3A_537 : vector<1x16xf32> to vector<16xf32>
        %swap3A_539 = arith.constant 1 : i32
        %swap3A_540 = arith.index_cast %swap3A_539 : i32 to index
        %swap3A_541 = arith.index_cast %scan3A_512 : i32 to index
        %swap3A_542 = arith.constant 32 : index
        %swap3A_543 = tpu.vector_load %arg7[%swap3A_540, %swap3A_541, %swap3A_542] {strides = array<i32>} : memref<4x200x64xf32, #tpu.memory_space<vmem>>, vector<1x1x16xf32>,
        %swap3A_544 = vector.shape_cast %swap3A_543 : vector<1x1x16xf32> to vector<16xf32>
        %swap3A_545 = vector.shape_cast %get3A_538 : vector<16xf32> to vector<1x1x16xf32>
        tpu.vector_store %arg7[%swap3A_540, %swap3A_541, %swap3A_542], %swap3A_545 {add = true, strides = array<i32>} : memref<4x200x64xf32, #tpu.memory_space<vmem>>, vector<1x1x16xf32>,
        %get3A_546 = arith.index_cast %scan3A_512 : i32 to index
        %get3A_547 = arith.constant 48 : index
        %get3A_548 = tpu.vector_load %arg8[%get3A_546, %get3A_547] {strides = array<i32>} : memref<200x64xf32, #tpu.memory_space<vmem>>, vector<1x16xf32>,
        %get3A_549 = vector.shape_cast %get3A_548 : vector<1x16xf32> to vector<16xf32>
        %swap3A_550 = arith.constant 1 : i32
        %swap3A_551 = arith.index_cast %swap3A_550 : i32 to index
        %swap3A_552 = arith.index_cast %scan3A_512 : i32 to index
        %swap3A_553 = arith.constant 48 : index
        %swap3A_554 = tpu.vector_load %arg7[%swap3A_551, %swap3A_552, %swap3A_553] {strides = array<i32>} : memref<4x200x64xf32, #tpu.memory_space<vmem>>, vector<1x1x16xf32>,
        %swap3A_555 = vector.shape_cast %swap3A_554 : vector<1x1x16xf32> to vector<16xf32>
        %swap3A_556 = vector.shape_cast %get3A_549 : vector<16xf32> to vector<1x1x16xf32>
        tpu.vector_store %arg7[%swap3A_551, %swap3A_552, %swap3A_553], %swap3A_556 {add = true, strides = array<i32>} : memref<4x200x64xf32, #tpu.memory_space<vmem>>, vector<1x1x16xf32>,
      }
      %scan3A_215 = arith.constant 200 : i32
      %add3A_216 = arith.addi %mul3A_2, %add3A_194 : i32
      %dma_start3A_217 = arith.constant 1 : i32
      %dma_start3A_218 = arith.constant 1 : i32
      %dma_start3A_219 = arith.constant 0 : i32
      %dma_start3A_220 = arith.constant 0 : i32
      %dma_start3A_221 = tpu.memref_slice %arg7[%dma_start3A_217, %dma_start3A_219, %dma_start3A_220] : memref<4x200x64xf32, #tpu.memory_space<vmem>> -> memref<1x200x64xf32, #tpu.memory_space<vmem>>
      %dma_start3A_222 = tpu.memref_squeeze %dma_start3A_221 : memref<1x200x64xf32, #tpu.memory_space<vmem>> -> memref<200x64xf32, #tpu.memory_space<vmem>>
      %dma_start3A_223 = arith.constant 0 : i32
      %dma_start3A_224 = arith.constant 0 : i32
      %dma_start3A_225 = tpu.memref_slice %arg5[%add3A_216, %dma_start3A_223, %dma_start3A_224] : memref<4096x200x64xf32, #tpu.memory_space<hbm>> -> memref<1x200x64xf32, #tpu.memory_space<hbm>>
      %dma_start3A_226 = tpu.memref_squeeze %dma_start3A_225 : memref<1x200x64xf32, #tpu.memory_space<hbm>> -> memref<200x64xf32, #tpu.memory_space<hbm>>
      %dma_start3A_227 = tpu.memref_slice %arg10[%dma_start3A_218] : memref<4x!tpu.dma_semaphore, #tpu.memory_space<semaphore_mem>> -> memref<1x!tpu.dma_semaphore, #tpu.memory_space<semaphore_mem>>
      %dma_start3A_228 = tpu.memref_squeeze %dma_start3A_227 : memref<1x!tpu.dma_semaphore, #tpu.memory_space<semaphore_mem>> -> memref<!tpu.dma_semaphore, #tpu.memory_space<semaphore_mem>>
      %dma_start3A_229 = arith.constant 0 : i32
      %dma_start3A_230 = arith.constant 0 : i32
      %dma_start3A_231 = tpu.memref_slice %arg5[%add3A_216, %dma_start3A_229, %dma_start3A_230] : memref<4096x200x64xf32, #tpu.memory_space<hbm>> -> memref<1x200x64xf32, #tpu.memory_space<hbm>>
      %dma_start3A_232 = tpu.memref_squeeze %dma_start3A_231 : memref<1x200x64xf32, #tpu.memory_space<hbm>> -> memref<200x64xf32, #tpu.memory_space<hbm>>
      %dma_start3A_233 = arith.constant 0 : i32
      %dma_start3A_234 = arith.constant 0 : i32
      %dma_start3A_235 = tpu.memref_slice %arg7[%dma_start3A_217, %dma_start3A_233, %dma_start3A_234] : memref<4x200x64xf32, #tpu.memory_space<vmem>> -> memref<1x200x64xf32, #tpu.memory_space<vmem>>
      %dma_start3A_236 = tpu.memref_squeeze %dma_start3A_235 : memref<1x200x64xf32, #tpu.memory_space<vmem>> -> memref<200x64xf32, #tpu.memory_space<vmem>>
      tpu.enqueue_dma source(%dma_start3A_236 : memref<200x64xf32, #tpu.memory_space<vmem>>) target(%dma_start3A_232 : memref<200x64xf32, #tpu.memory_space<hbm>>) target_semaphore(%dma_start3A_228 : memref<!tpu.dma_semaphore, #tpu.memory_space<semaphore_mem>>)
      %add3A_237 = arith.constant 4 : i32
      %add3A_238 = arith.addi %add3A_194, %add3A_237 : i32
      %sub3A_239 = arith.constant 1 : i32
      %sub3A_240 = arith.subi %add3A_238, %sub3A_239 : i32
      %lt3A_241 = arith.constant 128 : i32
      %lt3A_242 = arith.cmpi slt, %sub3A_240, %lt3A_241 : i32
      %ge3A_243 = arith.constant 1 : i32
      %ge3A_244 = arith.cmpi sge, %add3A_194, %ge3A_243 : i32
      %and3A_245 = arith.andi %lt3A_242, %ge3A_244 : i1
      %convert_element_type3A_246 = arith.extui %and3A_245 : i1 to i32
      %cond3A_247 = arith.constant 0 : i32
      %cond3A_248 = arith.cmpi ne, %convert_element_type3A_246, %cond3A_247 : i32
      scf.if %cond3A_248 {
        %dma_wait3A_376 = arith.constant 0 : i32
        %dma_wait3A_377 = arith.constant 0 : i32
        %dma_wait3A_378 = arith.constant 0 : i32
        %dma_wait3A_379 = arith.constant 0 : i32
        %dma_wait3A_380 = arith.constant 0 : i32
        %dma_wait3A_381 = tpu.memref_slice %arg7[%dma_wait3A_376, %dma_wait3A_379, %dma_wait3A_380] : memref<4x200x64xf32, #tpu.memory_space<vmem>> -> memref<1x200x64xf32, #tpu.memory_space<vmem>>
        %dma_wait3A_382 = tpu.memref_squeeze %dma_wait3A_381 : memref<1x200x64xf32, #tpu.memory_space<vmem>> -> memref<200x64xf32, #tpu.memory_space<vmem>>
        %dma_wait3A_383 = arith.constant 0 : i32
        %dma_wait3A_384 = arith.constant 0 : i32
        %dma_wait3A_385 = tpu.memref_slice %arg5[%dma_wait3A_377, %dma_wait3A_383, %dma_wait3A_384] : memref<4096x200x64xf32, #tpu.memory_space<hbm>> -> memref<1x200x64xf32, #tpu.memory_space<hbm>>
        %dma_wait3A_386 = tpu.memref_squeeze %dma_wait3A_385 : memref<1x200x64xf32, #tpu.memory_space<hbm>> -> memref<200x64xf32, #tpu.memory_space<hbm>>
        %dma_wait3A_387 = tpu.memref_slice %arg10[%dma_wait3A_378] : memref<4x!tpu.dma_semaphore, #tpu.memory_space<semaphore_mem>> -> memref<1x!tpu.dma_semaphore, #tpu.memory_space<semaphore_mem>>
        %dma_wait3A_388 = tpu.memref_squeeze %dma_wait3A_387 : memref<1x!tpu.dma_semaphore, #tpu.memory_space<semaphore_mem>> -> memref<!tpu.dma_semaphore, #tpu.memory_space<semaphore_mem>>
        %dma_wait3A_389 = arith.constant 0 : i32
        %dma_wait3A_390 = arith.constant 0 : i32
        %dma_wait3A_391 = tpu.memref_slice %arg5[%dma_wait3A_377, %dma_wait3A_389, %dma_wait3A_390] : memref<4096x200x64xf32, #tpu.memory_space<hbm>> -> memref<1x200x64xf32, #tpu.memory_space<hbm>>
        %dma_wait3A_392 = tpu.memref_squeeze %dma_wait3A_391 : memref<1x200x64xf32, #tpu.memory_space<hbm>> -> memref<200x64xf32, #tpu.memory_space<hbm>>
        %dma_wait3A_393 = arith.constant 0 : i32
        %dma_wait3A_394 = arith.constant 0 : i32
        %dma_wait3A_395 = tpu.memref_slice %arg7[%dma_wait3A_376, %dma_wait3A_393, %dma_wait3A_394] : memref<4x200x64xf32, #tpu.memory_space<vmem>> -> memref<1x200x64xf32, #tpu.memory_space<vmem>>
        %dma_wait3A_396 = tpu.memref_squeeze %dma_wait3A_395 : memref<1x200x64xf32, #tpu.memory_space<vmem>> -> memref<200x64xf32, #tpu.memory_space<vmem>>
        tpu.wait_dma2 semaphore(%dma_wait3A_388 : memref<!tpu.dma_semaphore, #tpu.memory_space<semaphore_mem>>) src(%dma_wait3A_396 : memref<200x64xf32, #tpu.memory_space<vmem>>) dst(%dma_wait3A_392 : memref<200x64xf32, #tpu.memory_space<hbm>>)
      } else {
      }
      %lt3A_249 = arith.constant 128 : i32
      %lt3A_250 = arith.cmpi slt, %sub3A_240, %lt3A_249 : i32
      %convert_element_type3A_251 = arith.extui %lt3A_250 : i1 to i32
      %cond3A_252 = arith.constant 0 : i32
      %cond3A_253 = arith.cmpi ne, %convert_element_type3A_251, %cond3A_252 : i32
      scf.if %cond3A_253 {
        %dma_start3A_376 = arith.constant 0 : i32
        %dma_start3A_377 = arith.constant 0 : i32
        %dma_start3A_378 = arith.constant 0 : i32
        %dma_start3A_379 = arith.constant 0 : i32
        %dma_start3A_380 = tpu.memref_slice %arg7[%dma_start3A_376, %dma_start3A_378, %dma_start3A_379] : memref<4x200x64xf32, #tpu.memory_space<vmem>> -> memref<1x200x64xf32, #tpu.memory_space<vmem>>
        %dma_start3A_381 = tpu.memref_squeeze %dma_start3A_380 : memref<1x200x64xf32, #tpu.memory_space<vmem>> -> memref<200x64xf32, #tpu.memory_space<vmem>>
        %dma_start3A_382 = arith.constant 0 : i32
        %dma_start3A_383 = tpu.memref_slice %arg6[%sub3A_240, %dma_start3A_382] : memref<128x200xi32, #tpu.memory_space<vmem>> -> memref<1x200xi32, #tpu.memory_space<vmem>>
        %dma_start3A_384 = tpu.memref_squeeze %dma_start3A_383 : memref<1x200xi32, #tpu.memory_space<vmem>> -> memref<200xi32, #tpu.memory_space<vmem>>
        %dma_start3A_385 = arith.constant 0 : i32
        %dma_start3A_386 = arith.constant 0 : i32
        %dma_start3A_387 = tpu.memref_slice %arg2[%dma_start3A_385, %dma_start3A_386] : memref<1000000x64xf32, #tpu.memory_space<hbm>> -> memref<1000000x64xf32, #tpu.memory_space<hbm>>
        %dma_start3A_388 = tpu.memref_slice %arg9[%dma_start3A_377] : memref<4x!tpu.dma_semaphore, #tpu.memory_space<semaphore_mem>> -> memref<1x!tpu.dma_semaphore, #tpu.memory_space<semaphore_mem>>
        %dma_start3A_389 = tpu.memref_squeeze %dma_start3A_388 : memref<1x!tpu.dma_semaphore, #tpu.memory_space<semaphore_mem>> -> memref<!tpu.dma_semaphore, #tpu.memory_space<semaphore_mem>>
        tpu.enqueue_indirect_dma source(%dma_start3A_387 : memref<1000000x64xf32, #tpu.memory_space<hbm>>) target(%dma_start3A_381 : memref<200x64xf32, #tpu.memory_space<vmem>>) offsets(%dma_start3A_384 : memref<200xi32, #tpu.memory_space<vmem>>) semaphore(%dma_start3A_389 : memref<!tpu.dma_semaphore, #tpu.memory_space<semaphore_mem>>)
      } else {
      }
      %add3A_254 = arith.constant 2 : i32
      %add3A_255 = arith.addi %mul3A_137, %add3A_254 : i32
      %dma_wait3A_256 = arith.constant 0 : i32
      %dma_wait3A_257 = arith.constant 2 : i32
      %dma_wait3A_258 = arith.constant 2 : i32
      %dma_wait3A_259 = arith.constant 0 : i32
      %dma_wait3A_260 = arith.constant 0 : i32
      %dma_wait3A_261 = tpu.memref_slice %arg7[%dma_wait3A_257, %dma_wait3A_259, %dma_wait3A_260] : memref<4x200x64xf32, #tpu.memory_space<vmem>> -> memref<1x200x64xf32, #tpu.memory_space<vmem>>
      %dma_wait3A_262 = tpu.memref_squeeze %dma_wait3A_261 : memref<1x200x64xf32, #tpu.memory_space<vmem>> -> memref<200x64xf32, #tpu.memory_space<vmem>>
      %dma_wait3A_263 = arith.constant 0 : i32
      %dma_wait3A_264 = tpu.memref_slice %arg6[%dma_wait3A_256, %dma_wait3A_263] : memref<128x200xi32, #tpu.memory_space<vmem>> -> memref<1x200xi32, #tpu.memory_space<vmem>>
      %dma_wait3A_265 = tpu.memref_squeeze %dma_wait3A_264 : memref<1x200xi32, #tpu.memory_space<vmem>> -> memref<200xi32, #tpu.memory_space<vmem>>
      %dma_wait3A_266 = arith.constant 0 : i32
      %dma_wait3A_267 = arith.constant 0 : i32
      %dma_wait3A_268 = tpu.memref_slice %arg2[%dma_wait3A_266, %dma_wait3A_267] : memref<1000000x64xf32, #tpu.memory_space<hbm>> -> memref<1000000x64xf32, #tpu.memory_space<hbm>>
      %dma_wait3A_269 = tpu.memref_slice %arg9[%dma_wait3A_258] : memref<4x!tpu.dma_semaphore, #tpu.memory_space<semaphore_mem>> -> memref<1x!tpu.dma_semaphore, #tpu.memory_space<semaphore_mem>>
      %dma_wait3A_270 = tpu.memref_squeeze %dma_wait3A_269 : memref<1x!tpu.dma_semaphore, #tpu.memory_space<semaphore_mem>> -> memref<!tpu.dma_semaphore, #tpu.memory_space<semaphore_mem>>
      tpu.wait_indirect_dma semaphore(%dma_wait3A_270 : memref<!tpu.dma_semaphore, #tpu.memory_space<semaphore_mem>>) src(%dma_wait3A_268 : memref<1000000x64xf32, #tpu.memory_space<hbm>>) dst(%dma_wait3A_262 : memref<200x64xf32, #tpu.memory_space<vmem>>)
      %scan3A_271 = arith.constant 0 : i32
      %scan3A_272 = arith.constant 0 : i32
      %scan3A_273 = arith.constant 200 : i32
      %scan3A_274 = arith.addi %scan3A_272, %scan3A_273 : i32
      %scan3A_275 = arith.constant 4 : i32
      scf.for %scan3A_376 = %scan3A_272 to %scan3A_274 step %scan3A_275  : i32 {
        %get3A = arith.index_cast %scan3A_376 : i32 to index
        %get3A_377 = arith.constant 0 : index
        %get3A_378 = tpu.vector_load %arg8[%get3A, %get3A_377] {strides = array<i32>} : memref<200x64xf32, #tpu.memory_space<vmem>>, vector<1x16xf32>,
        %get3A_379 = vector.shape_cast %get3A_378 : vector<1x16xf32> to vector<16xf32>
        %swap3A = arith.constant 2 : i32
        %swap3A_380 = arith.index_cast %swap3A : i32 to index
        %swap3A_381 = arith.index_cast %scan3A_376 : i32 to index
        %swap3A_382 = arith.constant 0 : index
        %swap3A_383 = tpu.vector_load %arg7[%swap3A_380, %swap3A_381, %swap3A_382] {strides = array<i32>} : memref<4x200x64xf32, #tpu.memory_space<vmem>>, vector<1x1x16xf32>,
        %swap3A_384 = vector.shape_cast %swap3A_383 : vector<1x1x16xf32> to vector<16xf32>
        %swap3A_385 = vector.shape_cast %get3A_379 : vector<16xf32> to vector<1x1x16xf32>
        tpu.vector_store %arg7[%swap3A_380, %swap3A_381, %swap3A_382], %swap3A_385 {add = true, strides = array<i32>} : memref<4x200x64xf32, #tpu.memory_space<vmem>>, vector<1x1x16xf32>,
        %get3A_386 = arith.index_cast %scan3A_376 : i32 to index
        %get3A_387 = arith.constant 16 : index
        %get3A_388 = tpu.vector_load %arg8[%get3A_386, %get3A_387] {strides = array<i32>} : memref<200x64xf32, #tpu.memory_space<vmem>>, vector<1x16xf32>,
        %get3A_389 = vector.shape_cast %get3A_388 : vector<1x16xf32> to vector<16xf32>
        %swap3A_390 = arith.constant 2 : i32
        %swap3A_391 = arith.index_cast %swap3A_390 : i32 to index
        %swap3A_392 = arith.index_cast %scan3A_376 : i32 to index
        %swap3A_393 = arith.constant 16 : index
        %swap3A_394 = tpu.vector_load %arg7[%swap3A_391, %swap3A_392, %swap3A_393] {strides = array<i32>} : memref<4x200x64xf32, #tpu.memory_space<vmem>>, vector<1x1x16xf32>,
        %swap3A_395 = vector.shape_cast %swap3A_394 : vector<1x1x16xf32> to vector<16xf32>
        %swap3A_396 = vector.shape_cast %get3A_389 : vector<16xf32> to vector<1x1x16xf32>
        tpu.vector_store %arg7[%swap3A_391, %swap3A_392, %swap3A_393], %swap3A_396 {add = true, strides = array<i32>} : memref<4x200x64xf32, #tpu.memory_space<vmem>>, vector<1x1x16xf32>,
        %get3A_397 = arith.index_cast %scan3A_376 : i32 to index
        %get3A_398 = arith.constant 32 : index
        %get3A_399 = tpu.vector_load %arg8[%get3A_397, %get3A_398] {strides = array<i32>} : memref<200x64xf32, #tpu.memory_space<vmem>>, vector<1x16xf32>,
        %get3A_400 = vector.shape_cast %get3A_399 : vector<1x16xf32> to vector<16xf32>
        %swap3A_401 = arith.constant 2 : i32
        %swap3A_402 = arith.index_cast %swap3A_401 : i32 to index
        %swap3A_403 = arith.index_cast %scan3A_376 : i32 to index
        %swap3A_404 = arith.constant 32 : index
        %swap3A_405 = tpu.vector_load %arg7[%swap3A_402, %swap3A_403, %swap3A_404] {strides = array<i32>} : memref<4x200x64xf32, #tpu.memory_space<vmem>>, vector<1x1x16xf32>,
        %swap3A_406 = vector.shape_cast %swap3A_405 : vector<1x1x16xf32> to vector<16xf32>
        %swap3A_407 = vector.shape_cast %get3A_400 : vector<16xf32> to vector<1x1x16xf32>
        tpu.vector_store %arg7[%swap3A_402, %swap3A_403, %swap3A_404], %swap3A_407 {add = true, strides = array<i32>} : memref<4x200x64xf32, #tpu.memory_space<vmem>>, vector<1x1x16xf32>,
        %get3A_408 = arith.index_cast %scan3A_376 : i32 to index
        %get3A_409 = arith.constant 48 : index
        %get3A_410 = tpu.vector_load %arg8[%get3A_408, %get3A_409] {strides = array<i32>} : memref<200x64xf32, #tpu.memory_space<vmem>>, vector<1x16xf32>,
        %get3A_411 = vector.shape_cast %get3A_410 : vector<1x16xf32> to vector<16xf32>
        %swap3A_412 = arith.constant 2 : i32
        %swap3A_413 = arith.index_cast %swap3A_412 : i32 to index
        %swap3A_414 = arith.index_cast %scan3A_376 : i32 to index
        %swap3A_415 = arith.constant 48 : index
        %swap3A_416 = tpu.vector_load %arg7[%swap3A_413, %swap3A_414, %swap3A_415] {strides = array<i32>} : memref<4x200x64xf32, #tpu.memory_space<vmem>>, vector<1x1x16xf32>,
        %swap3A_417 = vector.shape_cast %swap3A_416 : vector<1x1x16xf32> to vector<16xf32>
        %swap3A_418 = vector.shape_cast %get3A_411 : vector<16xf32> to vector<1x1x16xf32>
        tpu.vector_store %arg7[%swap3A_413, %swap3A_414, %swap3A_415], %swap3A_418 {add = true, strides = array<i32>} : memref<4x200x64xf32, #tpu.memory_space<vmem>>, vector<1x1x16xf32>,
        %scan3A_419 = arith.constant 1 : i32
        %scan3A_420 = arith.addi %scan3A_376, %scan3A_419 : i32
        %get3A_421 = arith.index_cast %scan3A_420 : i32 to index
        %get3A_422 = arith.constant 0 : index
        %get3A_423 = tpu.vector_load %arg8[%get3A_421, %get3A_422] {strides = array<i32>} : memref<200x64xf32, #tpu.memory_space<vmem>>, vector<1x16xf32>,
        %get3A_424 = vector.shape_cast %get3A_423 : vector<1x16xf32> to vector<16xf32>
        %swap3A_425 = arith.constant 2 : i32
        %swap3A_426 = arith.index_cast %swap3A_425 : i32 to index
        %swap3A_427 = arith.index_cast %scan3A_420 : i32 to index
        %swap3A_428 = arith.constant 0 : index
        %swap3A_429 = tpu.vector_load %arg7[%swap3A_426, %swap3A_427, %swap3A_428] {strides = array<i32>} : memref<4x200x64xf32, #tpu.memory_space<vmem>>, vector<1x1x16xf32>,
        %swap3A_430 = vector.shape_cast %swap3A_429 : vector<1x1x16xf32> to vector<16xf32>
        %swap3A_431 = vector.shape_cast %get3A_424 : vector<16xf32> to vector<1x1x16xf32>
        tpu.vector_store %arg7[%swap3A_426, %swap3A_427, %swap3A_428], %swap3A_431 {add = true, strides = array<i32>} : memref<4x200x64xf32, #tpu.memory_space<vmem>>, vector<1x1x16xf32>,
        %get3A_432 = arith.index_cast %scan3A_420 : i32 to index
        %get3A_433 = arith.constant 16 : index
        %get3A_434 = tpu.vector_load %arg8[%get3A_432, %get3A_433] {strides = array<i32>} : memref<200x64xf32, #tpu.memory_space<vmem>>, vector<1x16xf32>,
        %get3A_435 = vector.shape_cast %get3A_434 : vector<1x16xf32> to vector<16xf32>
        %swap3A_436 = arith.constant 2 : i32
        %swap3A_437 = arith.index_cast %swap3A_436 : i32 to index
        %swap3A_438 = arith.index_cast %scan3A_420 : i32 to index
        %swap3A_439 = arith.constant 16 : index
        %swap3A_440 = tpu.vector_load %arg7[%swap3A_437, %swap3A_438, %swap3A_439] {strides = array<i32>} : memref<4x200x64xf32, #tpu.memory_space<vmem>>, vector<1x1x16xf32>,
        %swap3A_441 = vector.shape_cast %swap3A_440 : vector<1x1x16xf32> to vector<16xf32>
        %swap3A_442 = vector.shape_cast %get3A_435 : vector<16xf32> to vector<1x1x16xf32>
        tpu.vector_store %arg7[%swap3A_437, %swap3A_438, %swap3A_439], %swap3A_442 {add = true, strides = array<i32>} : memref<4x200x64xf32, #tpu.memory_space<vmem>>, vector<1x1x16xf32>,
        %get3A_443 = arith.index_cast %scan3A_420 : i32 to index
        %get3A_444 = arith.constant 32 : index
        %get3A_445 = tpu.vector_load %arg8[%get3A_443, %get3A_444] {strides = array<i32>} : memref<200x64xf32, #tpu.memory_space<vmem>>, vector<1x16xf32>,
        %get3A_446 = vector.shape_cast %get3A_445 : vector<1x16xf32> to vector<16xf32>
        %swap3A_447 = arith.constant 2 : i32
        %swap3A_448 = arith.index_cast %swap3A_447 : i32 to index
        %swap3A_449 = arith.index_cast %scan3A_420 : i32 to index
        %swap3A_450 = arith.constant 32 : index
        %swap3A_451 = tpu.vector_load %arg7[%swap3A_448, %swap3A_449, %swap3A_450] {strides = array<i32>} : memref<4x200x64xf32, #tpu.memory_space<vmem>>, vector<1x1x16xf32>,
        %swap3A_452 = vector.shape_cast %swap3A_451 : vector<1x1x16xf32> to vector<16xf32>
        %swap3A_453 = vector.shape_cast %get3A_446 : vector<16xf32> to vector<1x1x16xf32>
        tpu.vector_store %arg7[%swap3A_448, %swap3A_449, %swap3A_450], %swap3A_453 {add = true, strides = array<i32>} : memref<4x200x64xf32, #tpu.memory_space<vmem>>, vector<1x1x16xf32>,
        %get3A_454 = arith.index_cast %scan3A_420 : i32 to index
        %get3A_455 = arith.constant 48 : index
        %get3A_456 = tpu.vector_load %arg8[%get3A_454, %get3A_455] {strides = array<i32>} : memref<200x64xf32, #tpu.memory_space<vmem>>, vector<1x16xf32>,
        %get3A_457 = vector.shape_cast %get3A_456 : vector<1x16xf32> to vector<16xf32>
        %swap3A_458 = arith.constant 2 : i32
        %swap3A_459 = arith.index_cast %swap3A_458 : i32 to index
        %swap3A_460 = arith.index_cast %scan3A_420 : i32 to index
        %swap3A_461 = arith.constant 48 : index
        %swap3A_462 = tpu.vector_load %arg7[%swap3A_459, %swap3A_460, %swap3A_461] {strides = array<i32>} : memref<4x200x64xf32, #tpu.memory_space<vmem>>, vector<1x1x16xf32>,
        %swap3A_463 = vector.shape_cast %swap3A_462 : vector<1x1x16xf32> to vector<16xf32>
        %swap3A_464 = vector.shape_cast %get3A_457 : vector<16xf32> to vector<1x1x16xf32>
        tpu.vector_store %arg7[%swap3A_459, %swap3A_460, %swap3A_461], %swap3A_464 {add = true, strides = array<i32>} : memref<4x200x64xf32, #tpu.memory_space<vmem>>, vector<1x1x16xf32>,
        %scan3A_465 = arith.constant 2 : i32
        %scan3A_466 = arith.addi %scan3A_376, %scan3A_465 : i32
        %get3A_467 = arith.index_cast %scan3A_466 : i32 to index
        %get3A_468 = arith.constant 0 : index
        %get3A_469 = tpu.vector_load %arg8[%get3A_467, %get3A_468] {strides = array<i32>} : memref<200x64xf32, #tpu.memory_space<vmem>>, vector<1x16xf32>,
        %get3A_470 = vector.shape_cast %get3A_469 : vector<1x16xf32> to vector<16xf32>
        %swap3A_471 = arith.constant 2 : i32
        %swap3A_472 = arith.index_cast %swap3A_471 : i32 to index
        %swap3A_473 = arith.index_cast %scan3A_466 : i32 to index
        %swap3A_474 = arith.constant 0 : index
        %swap3A_475 = tpu.vector_load %arg7[%swap3A_472, %swap3A_473, %swap3A_474] {strides = array<i32>} : memref<4x200x64xf32, #tpu.memory_space<vmem>>, vector<1x1x16xf32>,
        %swap3A_476 = vector.shape_cast %swap3A_475 : vector<1x1x16xf32> to vector<16xf32>
        %swap3A_477 = vector.shape_cast %get3A_470 : vector<16xf32> to vector<1x1x16xf32>
        tpu.vector_store %arg7[%swap3A_472, %swap3A_473, %swap3A_474], %swap3A_477 {add = true, strides = array<i32>} : memref<4x200x64xf32, #tpu.memory_space<vmem>>, vector<1x1x16xf32>,
        %get3A_478 = arith.index_cast %scan3A_466 : i32 to index
        %get3A_479 = arith.constant 16 : index
        %get3A_480 = tpu.vector_load %arg8[%get3A_478, %get3A_479] {strides = array<i32>} : memref<200x64xf32, #tpu.memory_space<vmem>>, vector<1x16xf32>,
        %get3A_481 = vector.shape_cast %get3A_480 : vector<1x16xf32> to vector<16xf32>
        %swap3A_482 = arith.constant 2 : i32
        %swap3A_483 = arith.index_cast %swap3A_482 : i32 to index
        %swap3A_484 = arith.index_cast %scan3A_466 : i32 to index
        %swap3A_485 = arith.constant 16 : index
        %swap3A_486 = tpu.vector_load %arg7[%swap3A_483, %swap3A_484, %swap3A_485] {strides = array<i32>} : memref<4x200x64xf32, #tpu.memory_space<vmem>>, vector<1x1x16xf32>,
        %swap3A_487 = vector.shape_cast %swap3A_486 : vector<1x1x16xf32> to vector<16xf32>
        %swap3A_488 = vector.shape_cast %get3A_481 : vector<16xf32> to vector<1x1x16xf32>
        tpu.vector_store %arg7[%swap3A_483, %swap3A_484, %swap3A_485], %swap3A_488 {add = true, strides = array<i32>} : memref<4x200x64xf32, #tpu.memory_space<vmem>>, vector<1x1x16xf32>,
        %get3A_489 = arith.index_cast %scan3A_466 : i32 to index
        %get3A_490 = arith.constant 32 : index
        %get3A_491 = tpu.vector_load %arg8[%get3A_489, %get3A_490] {strides = array<i32>} : memref<200x64xf32, #tpu.memory_space<vmem>>, vector<1x16xf32>,
        %get3A_492 = vector.shape_cast %get3A_491 : vector<1x16xf32> to vector<16xf32>
        %swap3A_493 = arith.constant 2 : i32
        %swap3A_494 = arith.index_cast %swap3A_493 : i32 to index
        %swap3A_495 = arith.index_cast %scan3A_466 : i32 to index
        %swap3A_496 = arith.constant 32 : index
        %swap3A_497 = tpu.vector_load %arg7[%swap3A_494, %swap3A_495, %swap3A_496] {strides = array<i32>} : memref<4x200x64xf32, #tpu.memory_space<vmem>>, vector<1x1x16xf32>,
        %swap3A_498 = vector.shape_cast %swap3A_497 : vector<1x1x16xf32> to vector<16xf32>
        %swap3A_499 = vector.shape_cast %get3A_492 : vector<16xf32> to vector<1x1x16xf32>
        tpu.vector_store %arg7[%swap3A_494, %swap3A_495, %swap3A_496], %swap3A_499 {add = true, strides = array<i32>} : memref<4x200x64xf32, #tpu.memory_space<vmem>>, vector<1x1x16xf32>,
        %get3A_500 = arith.index_cast %scan3A_466 : i32 to index
        %get3A_501 = arith.constant 48 : index
        %get3A_502 = tpu.vector_load %arg8[%get3A_500, %get3A_501] {strides = array<i32>} : memref<200x64xf32, #tpu.memory_space<vmem>>, vector<1x16xf32>,
        %get3A_503 = vector.shape_cast %get3A_502 : vector<1x16xf32> to vector<16xf32>
        %swap3A_504 = arith.constant 2 : i32
        %swap3A_505 = arith.index_cast %swap3A_504 : i32 to index
        %swap3A_506 = arith.index_cast %scan3A_466 : i32 to index
        %swap3A_507 = arith.constant 48 : index
        %swap3A_508 = tpu.vector_load %arg7[%swap3A_505, %swap3A_506, %swap3A_507] {strides = array<i32>} : memref<4x200x64xf32, #tpu.memory_space<vmem>>, vector<1x1x16xf32>,
        %swap3A_509 = vector.shape_cast %swap3A_508 : vector<1x1x16xf32> to vector<16xf32>
        %swap3A_510 = vector.shape_cast %get3A_503 : vector<16xf32> to vector<1x1x16xf32>
        tpu.vector_store %arg7[%swap3A_505, %swap3A_506, %swap3A_507], %swap3A_510 {add = true, strides = array<i32>} : memref<4x200x64xf32, #tpu.memory_space<vmem>>, vector<1x1x16xf32>,
        %scan3A_511 = arith.constant 3 : i32
        %scan3A_512 = arith.addi %scan3A_376, %scan3A_511 : i32
        %get3A_513 = arith.index_cast %scan3A_512 : i32 to index
        %get3A_514 = arith.constant 0 : index
        %get3A_515 = tpu.vector_load %arg8[%get3A_513, %get3A_514] {strides = array<i32>} : memref<200x64xf32, #tpu.memory_space<vmem>>, vector<1x16xf32>,
        %get3A_516 = vector.shape_cast %get3A_515 : vector<1x16xf32> to vector<16xf32>
        %swap3A_517 = arith.constant 2 : i32
        %swap3A_518 = arith.index_cast %swap3A_517 : i32 to index
        %swap3A_519 = arith.index_cast %scan3A_512 : i32 to index
        %swap3A_520 = arith.constant 0 : index
        %swap3A_521 = tpu.vector_load %arg7[%swap3A_518, %swap3A_519, %swap3A_520] {strides = array<i32>} : memref<4x200x64xf32, #tpu.memory_space<vmem>>, vector<1x1x16xf32>,
        %swap3A_522 = vector.shape_cast %swap3A_521 : vector<1x1x16xf32> to vector<16xf32>
        %swap3A_523 = vector.shape_cast %get3A_516 : vector<16xf32> to vector<1x1x16xf32>
        tpu.vector_store %arg7[%swap3A_518, %swap3A_519, %swap3A_520], %swap3A_523 {add = true, strides = array<i32>} : memref<4x200x64xf32, #tpu.memory_space<vmem>>, vector<1x1x16xf32>,
        %get3A_524 = arith.index_cast %scan3A_512 : i32 to index
        %get3A_525 = arith.constant 16 : index
        %get3A_526 = tpu.vector_load %arg8[%get3A_524, %get3A_525] {strides = array<i32>} : memref<200x64xf32, #tpu.memory_space<vmem>>, vector<1x16xf32>,
        %get3A_527 = vector.shape_cast %get3A_526 : vector<1x16xf32> to vector<16xf32>
        %swap3A_528 = arith.constant 2 : i32
        %swap3A_529 = arith.index_cast %swap3A_528 : i32 to index
        %swap3A_530 = arith.index_cast %scan3A_512 : i32 to index
        %swap3A_531 = arith.constant 16 : index
        %swap3A_532 = tpu.vector_load %arg7[%swap3A_529, %swap3A_530, %swap3A_531] {strides = array<i32>} : memref<4x200x64xf32, #tpu.memory_space<vmem>>, vector<1x1x16xf32>,
        %swap3A_533 = vector.shape_cast %swap3A_532 : vector<1x1x16xf32> to vector<16xf32>
        %swap3A_534 = vector.shape_cast %get3A_527 : vector<16xf32> to vector<1x1x16xf32>
        tpu.vector_store %arg7[%swap3A_529, %swap3A_530, %swap3A_531], %swap3A_534 {add = true, strides = array<i32>} : memref<4x200x64xf32, #tpu.memory_space<vmem>>, vector<1x1x16xf32>,
        %get3A_535 = arith.index_cast %scan3A_512 : i32 to index
        %get3A_536 = arith.constant 32 : index
        %get3A_537 = tpu.vector_load %arg8[%get3A_535, %get3A_536] {strides = array<i32>} : memref<200x64xf32, #tpu.memory_space<vmem>>, vector<1x16xf32>,
        %get3A_538 = vector.shape_cast %get3A_537 : vector<1x16xf32> to vector<16xf32>
        %swap3A_539 = arith.constant 2 : i32
        %swap3A_540 = arith.index_cast %swap3A_539 : i32 to index
        %swap3A_541 = arith.index_cast %scan3A_512 : i32 to index
        %swap3A_542 = arith.constant 32 : index
        %swap3A_543 = tpu.vector_load %arg7[%swap3A_540, %swap3A_541, %swap3A_542] {strides = array<i32>} : memref<4x200x64xf32, #tpu.memory_space<vmem>>, vector<1x1x16xf32>,
        %swap3A_544 = vector.shape_cast %swap3A_543 : vector<1x1x16xf32> to vector<16xf32>
        %swap3A_545 = vector.shape_cast %get3A_538 : vector<16xf32> to vector<1x1x16xf32>
        tpu.vector_store %arg7[%swap3A_540, %swap3A_541, %swap3A_542], %swap3A_545 {add = true, strides = array<i32>} : memref<4x200x64xf32, #tpu.memory_space<vmem>>, vector<1x1x16xf32>,
        %get3A_546 = arith.index_cast %scan3A_512 : i32 to index
        %get3A_547 = arith.constant 48 : index
        %get3A_548 = tpu.vector_load %arg8[%get3A_546, %get3A_547] {strides = array<i32>} : memref<200x64xf32, #tpu.memory_space<vmem>>, vector<1x16xf32>,
        %get3A_549 = vector.shape_cast %get3A_548 : vector<1x16xf32> to vector<16xf32>
        %swap3A_550 = arith.constant 2 : i32
        %swap3A_551 = arith.index_cast %swap3A_550 : i32 to index
        %swap3A_552 = arith.index_cast %scan3A_512 : i32 to index
        %swap3A_553 = arith.constant 48 : index
        %swap3A_554 = tpu.vector_load %arg7[%swap3A_551, %swap3A_552, %swap3A_553] {strides = array<i32>} : memref<4x200x64xf32, #tpu.memory_space<vmem>>, vector<1x1x16xf32>,
        %swap3A_555 = vector.shape_cast %swap3A_554 : vector<1x1x16xf32> to vector<16xf32>
        %swap3A_556 = vector.shape_cast %get3A_549 : vector<16xf32> to vector<1x1x16xf32>
        tpu.vector_store %arg7[%swap3A_551, %swap3A_552, %swap3A_553], %swap3A_556 {add = true, strides = array<i32>} : memref<4x200x64xf32, #tpu.memory_space<vmem>>, vector<1x1x16xf32>,
      }
      %scan3A_276 = arith.constant 200 : i32
      %add3A_277 = arith.addi %mul3A_2, %add3A_255 : i32
      %dma_start3A_278 = arith.constant 2 : i32
      %dma_start3A_279 = arith.constant 2 : i32
      %dma_start3A_280 = arith.constant 0 : i32
      %dma_start3A_281 = arith.constant 0 : i32
      %dma_start3A_282 = tpu.memref_slice %arg7[%dma_start3A_278, %dma_start3A_280, %dma_start3A_281] : memref<4x200x64xf32, #tpu.memory_space<vmem>> -> memref<1x200x64xf32, #tpu.memory_space<vmem>>
      %dma_start3A_283 = tpu.memref_squeeze %dma_start3A_282 : memref<1x200x64xf32, #tpu.memory_space<vmem>> -> memref<200x64xf32, #tpu.memory_space<vmem>>
      %dma_start3A_284 = arith.constant 0 : i32
      %dma_start3A_285 = arith.constant 0 : i32
      %dma_start3A_286 = tpu.memref_slice %arg5[%add3A_277, %dma_start3A_284, %dma_start3A_285] : memref<4096x200x64xf32, #tpu.memory_space<hbm>> -> memref<1x200x64xf32, #tpu.memory_space<hbm>>
      %dma_start3A_287 = tpu.memref_squeeze %dma_start3A_286 : memref<1x200x64xf32, #tpu.memory_space<hbm>> -> memref<200x64xf32, #tpu.memory_space<hbm>>
      %dma_start3A_288 = tpu.memref_slice %arg10[%dma_start3A_279] : memref<4x!tpu.dma_semaphore, #tpu.memory_space<semaphore_mem>> -> memref<1x!tpu.dma_semaphore, #tpu.memory_space<semaphore_mem>>
      %dma_start3A_289 = tpu.memref_squeeze %dma_start3A_288 : memref<1x!tpu.dma_semaphore, #tpu.memory_space<semaphore_mem>> -> memref<!tpu.dma_semaphore, #tpu.memory_space<semaphore_mem>>
      %dma_start3A_290 = arith.constant 0 : i32
      %dma_start3A_291 = arith.constant 0 : i32
      %dma_start3A_292 = tpu.memref_slice %arg5[%add3A_277, %dma_start3A_290, %dma_start3A_291] : memref<4096x200x64xf32, #tpu.memory_space<hbm>> -> memref<1x200x64xf32, #tpu.memory_space<hbm>>
      %dma_start3A_293 = tpu.memref_squeeze %dma_start3A_292 : memref<1x200x64xf32, #tpu.memory_space<hbm>> -> memref<200x64xf32, #tpu.memory_space<hbm>>
      %dma_start3A_294 = arith.constant 0 : i32
      %dma_start3A_295 = arith.constant 0 : i32
      %dma_start3A_296 = tpu.memref_slice %arg7[%dma_start3A_278, %dma_start3A_294, %dma_start3A_295] : memref<4x200x64xf32, #tpu.memory_space<vmem>> -> memref<1x200x64xf32, #tpu.memory_space<vmem>>
      %dma_start3A_297 = tpu.memref_squeeze %dma_start3A_296 : memref<1x200x64xf32, #tpu.memory_space<vmem>> -> memref<200x64xf32, #tpu.memory_space<vmem>>
      tpu.enqueue_dma source(%dma_start3A_297 : memref<200x64xf32, #tpu.memory_space<vmem>>) target(%dma_start3A_293 : memref<200x64xf32, #tpu.memory_space<hbm>>) target_semaphore(%dma_start3A_289 : memref<!tpu.dma_semaphore, #tpu.memory_space<semaphore_mem>>)
      %add3A_298 = arith.constant 4 : i32
      %add3A_299 = arith.addi %add3A_255, %add3A_298 : i32
      %sub3A_300 = arith.constant 1 : i32
      %sub3A_301 = arith.subi %add3A_299, %sub3A_300 : i32
      %lt3A_302 = arith.constant 128 : i32
      %lt3A_303 = arith.cmpi slt, %sub3A_301, %lt3A_302 : i32
      %ge3A_304 = arith.constant 1 : i32
      %ge3A_305 = arith.cmpi sge, %add3A_255, %ge3A_304 : i32
      %and3A_306 = arith.andi %lt3A_303, %ge3A_305 : i1
      %convert_element_type3A_307 = arith.extui %and3A_306 : i1 to i32
      %cond3A_308 = arith.constant 0 : i32
      %cond3A_309 = arith.cmpi ne, %convert_element_type3A_307, %cond3A_308 : i32
      scf.if %cond3A_309 {
        %dma_wait3A_376 = arith.constant 1 : i32
        %dma_wait3A_377 = arith.constant 0 : i32
        %dma_wait3A_378 = arith.constant 1 : i32
        %dma_wait3A_379 = arith.constant 0 : i32
        %dma_wait3A_380 = arith.constant 0 : i32
        %dma_wait3A_381 = tpu.memref_slice %arg7[%dma_wait3A_376, %dma_wait3A_379, %dma_wait3A_380] : memref<4x200x64xf32, #tpu.memory_space<vmem>> -> memref<1x200x64xf32, #tpu.memory_space<vmem>>
        %dma_wait3A_382 = tpu.memref_squeeze %dma_wait3A_381 : memref<1x200x64xf32, #tpu.memory_space<vmem>> -> memref<200x64xf32, #tpu.memory_space<vmem>>
        %dma_wait3A_383 = arith.constant 0 : i32
        %dma_wait3A_384 = arith.constant 0 : i32
        %dma_wait3A_385 = tpu.memref_slice %arg5[%dma_wait3A_377, %dma_wait3A_383, %dma_wait3A_384] : memref<4096x200x64xf32, #tpu.memory_space<hbm>> -> memref<1x200x64xf32, #tpu.memory_space<hbm>>
        %dma_wait3A_386 = tpu.memref_squeeze %dma_wait3A_385 : memref<1x200x64xf32, #tpu.memory_space<hbm>> -> memref<200x64xf32, #tpu.memory_space<hbm>>
        %dma_wait3A_387 = tpu.memref_slice %arg10[%dma_wait3A_378] : memref<4x!tpu.dma_semaphore, #tpu.memory_space<semaphore_mem>> -> memref<1x!tpu.dma_semaphore, #tpu.memory_space<semaphore_mem>>
        %dma_wait3A_388 = tpu.memref_squeeze %dma_wait3A_387 : memref<1x!tpu.dma_semaphore, #tpu.memory_space<semaphore_mem>> -> memref<!tpu.dma_semaphore, #tpu.memory_space<semaphore_mem>>
        %dma_wait3A_389 = arith.constant 0 : i32
        %dma_wait3A_390 = arith.constant 0 : i32
        %dma_wait3A_391 = tpu.memref_slice %arg5[%dma_wait3A_377, %dma_wait3A_389, %dma_wait3A_390] : memref<4096x200x64xf32, #tpu.memory_space<hbm>> -> memref<1x200x64xf32, #tpu.memory_space<hbm>>
        %dma_wait3A_392 = tpu.memref_squeeze %dma_wait3A_391 : memref<1x200x64xf32, #tpu.memory_space<hbm>> -> memref<200x64xf32, #tpu.memory_space<hbm>>
        %dma_wait3A_393 = arith.constant 0 : i32
        %dma_wait3A_394 = arith.constant 0 : i32
        %dma_wait3A_395 = tpu.memref_slice %arg7[%dma_wait3A_376, %dma_wait3A_393, %dma_wait3A_394] : memref<4x200x64xf32, #tpu.memory_space<vmem>> -> memref<1x200x64xf32, #tpu.memory_space<vmem>>
        %dma_wait3A_396 = tpu.memref_squeeze %dma_wait3A_395 : memref<1x200x64xf32, #tpu.memory_space<vmem>> -> memref<200x64xf32, #tpu.memory_space<vmem>>
        tpu.wait_dma2 semaphore(%dma_wait3A_388 : memref<!tpu.dma_semaphore, #tpu.memory_space<semaphore_mem>>) src(%dma_wait3A_396 : memref<200x64xf32, #tpu.memory_space<vmem>>) dst(%dma_wait3A_392 : memref<200x64xf32, #tpu.memory_space<hbm>>)
      } else {
      }
      %lt3A_310 = arith.constant 128 : i32
      %lt3A_311 = arith.cmpi slt, %sub3A_301, %lt3A_310 : i32
      %convert_element_type3A_312 = arith.extui %lt3A_311 : i1 to i32
      %cond3A_313 = arith.constant 0 : i32
      %cond3A_314 = arith.cmpi ne, %convert_element_type3A_312, %cond3A_313 : i32
      scf.if %cond3A_314 {
        %dma_start3A_376 = arith.constant 1 : i32
        %dma_start3A_377 = arith.constant 1 : i32
        %dma_start3A_378 = arith.constant 0 : i32
        %dma_start3A_379 = arith.constant 0 : i32
        %dma_start3A_380 = tpu.memref_slice %arg7[%dma_start3A_376, %dma_start3A_378, %dma_start3A_379] : memref<4x200x64xf32, #tpu.memory_space<vmem>> -> memref<1x200x64xf32, #tpu.memory_space<vmem>>
        %dma_start3A_381 = tpu.memref_squeeze %dma_start3A_380 : memref<1x200x64xf32, #tpu.memory_space<vmem>> -> memref<200x64xf32, #tpu.memory_space<vmem>>
        %dma_start3A_382 = arith.constant 0 : i32
        %dma_start3A_383 = tpu.memref_slice %arg6[%sub3A_301, %dma_start3A_382] : memref<128x200xi32, #tpu.memory_space<vmem>> -> memref<1x200xi32, #tpu.memory_space<vmem>>
        %dma_start3A_384 = tpu.memref_squeeze %dma_start3A_383 : memref<1x200xi32, #tpu.memory_space<vmem>> -> memref<200xi32, #tpu.memory_space<vmem>>
        %dma_start3A_385 = arith.constant 0 : i32
        %dma_start3A_386 = arith.constant 0 : i32
        %dma_start3A_387 = tpu.memref_slice %arg2[%dma_start3A_385, %dma_start3A_386] : memref<1000000x64xf32, #tpu.memory_space<hbm>> -> memref<1000000x64xf32, #tpu.memory_space<hbm>>
        %dma_start3A_388 = tpu.memref_slice %arg9[%dma_start3A_377] : memref<4x!tpu.dma_semaphore, #tpu.memory_space<semaphore_mem>> -> memref<1x!tpu.dma_semaphore, #tpu.memory_space<semaphore_mem>>
        %dma_start3A_389 = tpu.memref_squeeze %dma_start3A_388 : memref<1x!tpu.dma_semaphore, #tpu.memory_space<semaphore_mem>> -> memref<!tpu.dma_semaphore, #tpu.memory_space<semaphore_mem>>
        tpu.enqueue_indirect_dma source(%dma_start3A_387 : memref<1000000x64xf32, #tpu.memory_space<hbm>>) target(%dma_start3A_381 : memref<200x64xf32, #tpu.memory_space<vmem>>) offsets(%dma_start3A_384 : memref<200xi32, #tpu.memory_space<vmem>>) semaphore(%dma_start3A_389 : memref<!tpu.dma_semaphore, #tpu.memory_space<semaphore_mem>>)
      } else {
      }
      %add3A_315 = arith.constant 3 : i32
      %add3A_316 = arith.addi %mul3A_137, %add3A_315 : i32
      %dma_wait3A_317 = arith.constant 0 : i32
      %dma_wait3A_318 = arith.constant 3 : i32
      %dma_wait3A_319 = arith.constant 3 : i32
      %dma_wait3A_320 = arith.constant 0 : i32
      %dma_wait3A_321 = arith.constant 0 : i32
      %dma_wait3A_322 = tpu.memref_slice %arg7[%dma_wait3A_318, %dma_wait3A_320, %dma_wait3A_321] : memref<4x200x64xf32, #tpu.memory_space<vmem>> -> memref<1x200x64xf32, #tpu.memory_space<vmem>>
      %dma_wait3A_323 = tpu.memref_squeeze %dma_wait3A_322 : memref<1x200x64xf32, #tpu.memory_space<vmem>> -> memref<200x64xf32, #tpu.memory_space<vmem>>
      %dma_wait3A_324 = arith.constant 0 : i32
      %dma_wait3A_325 = tpu.memref_slice %arg6[%dma_wait3A_317, %dma_wait3A_324] : memref<128x200xi32, #tpu.memory_space<vmem>> -> memref<1x200xi32, #tpu.memory_space<vmem>>
      %dma_wait3A_326 = tpu.memref_squeeze %dma_wait3A_325 : memref<1x200xi32, #tpu.memory_space<vmem>> -> memref<200xi32, #tpu.memory_space<vmem>>
      %dma_wait3A_327 = arith.constant 0 : i32
      %dma_wait3A_328 = arith.constant 0 : i32
      %dma_wait3A_329 = tpu.memref_slice %arg2[%dma_wait3A_327, %dma_wait3A_328] : memref<1000000x64xf32, #tpu.memory_space<hbm>> -> memref<1000000x64xf32, #tpu.memory_space<hbm>>
      %dma_wait3A_330 = tpu.memref_slice %arg9[%dma_wait3A_319] : memref<4x!tpu.dma_semaphore, #tpu.memory_space<semaphore_mem>> -> memref<1x!tpu.dma_semaphore, #tpu.memory_space<semaphore_mem>>
      %dma_wait3A_331 = tpu.memref_squeeze %dma_wait3A_330 : memref<1x!tpu.dma_semaphore, #tpu.memory_space<semaphore_mem>> -> memref<!tpu.dma_semaphore, #tpu.memory_space<semaphore_mem>>
      tpu.wait_indirect_dma semaphore(%dma_wait3A_331 : memref<!tpu.dma_semaphore, #tpu.memory_space<semaphore_mem>>) src(%dma_wait3A_329 : memref<1000000x64xf32, #tpu.memory_space<hbm>>) dst(%dma_wait3A_323 : memref<200x64xf32, #tpu.memory_space<vmem>>)
      %scan3A_332 = arith.constant 0 : i32
      %scan3A_333 = arith.constant 0 : i32
      %scan3A_334 = arith.constant 200 : i32
      %scan3A_335 = arith.addi %scan3A_333, %scan3A_334 : i32
      %scan3A_336 = arith.constant 4 : i32
      scf.for %scan3A_376 = %scan3A_333 to %scan3A_335 step %scan3A_336  : i32 {
        %get3A = arith.index_cast %scan3A_376 : i32 to index
        %get3A_377 = arith.constant 0 : index
        %get3A_378 = tpu.vector_load %arg8[%get3A, %get3A_377] {strides = array<i32>} : memref<200x64xf32, #tpu.memory_space<vmem>>, vector<1x16xf32>,
        %get3A_379 = vector.shape_cast %get3A_378 : vector<1x16xf32> to vector<16xf32>
        %swap3A = arith.constant 3 : i32
        %swap3A_380 = arith.index_cast %swap3A : i32 to index
        %swap3A_381 = arith.index_cast %scan3A_376 : i32 to index
        %swap3A_382 = arith.constant 0 : index
        %swap3A_383 = tpu.vector_load %arg7[%swap3A_380, %swap3A_381, %swap3A_382] {strides = array<i32>} : memref<4x200x64xf32, #tpu.memory_space<vmem>>, vector<1x1x16xf32>,
        %swap3A_384 = vector.shape_cast %swap3A_383 : vector<1x1x16xf32> to vector<16xf32>
        %swap3A_385 = vector.shape_cast %get3A_379 : vector<16xf32> to vector<1x1x16xf32>
        tpu.vector_store %arg7[%swap3A_380, %swap3A_381, %swap3A_382], %swap3A_385 {add = true, strides = array<i32>} : memref<4x200x64xf32, #tpu.memory_space<vmem>>, vector<1x1x16xf32>,
        %get3A_386 = arith.index_cast %scan3A_376 : i32 to index
        %get3A_387 = arith.constant 16 : index
        %get3A_388 = tpu.vector_load %arg8[%get3A_386, %get3A_387] {strides = array<i32>} : memref<200x64xf32, #tpu.memory_space<vmem>>, vector<1x16xf32>,
        %get3A_389 = vector.shape_cast %get3A_388 : vector<1x16xf32> to vector<16xf32>
        %swap3A_390 = arith.constant 3 : i32
        %swap3A_391 = arith.index_cast %swap3A_390 : i32 to index
        %swap3A_392 = arith.index_cast %scan3A_376 : i32 to index
        %swap3A_393 = arith.constant 16 : index
        %swap3A_394 = tpu.vector_load %arg7[%swap3A_391, %swap3A_392, %swap3A_393] {strides = array<i32>} : memref<4x200x64xf32, #tpu.memory_space<vmem>>, vector<1x1x16xf32>,
        %swap3A_395 = vector.shape_cast %swap3A_394 : vector<1x1x16xf32> to vector<16xf32>
        %swap3A_396 = vector.shape_cast %get3A_389 : vector<16xf32> to vector<1x1x16xf32>
        tpu.vector_store %arg7[%swap3A_391, %swap3A_392, %swap3A_393], %swap3A_396 {add = true, strides = array<i32>} : memref<4x200x64xf32, #tpu.memory_space<vmem>>, vector<1x1x16xf32>,
        %get3A_397 = arith.index_cast %scan3A_376 : i32 to index
        %get3A_398 = arith.constant 32 : index
        %get3A_399 = tpu.vector_load %arg8[%get3A_397, %get3A_398] {strides = array<i32>} : memref<200x64xf32, #tpu.memory_space<vmem>>, vector<1x16xf32>,
        %get3A_400 = vector.shape_cast %get3A_399 : vector<1x16xf32> to vector<16xf32>
        %swap3A_401 = arith.constant 3 : i32
        %swap3A_402 = arith.index_cast %swap3A_401 : i32 to index
        %swap3A_403 = arith.index_cast %scan3A_376 : i32 to index
        %swap3A_404 = arith.constant 32 : index
        %swap3A_405 = tpu.vector_load %arg7[%swap3A_402, %swap3A_403, %swap3A_404] {strides = array<i32>} : memref<4x200x64xf32, #tpu.memory_space<vmem>>, vector<1x1x16xf32>,
        %swap3A_406 = vector.shape_cast %swap3A_405 : vector<1x1x16xf32> to vector<16xf32>
        %swap3A_407 = vector.shape_cast %get3A_400 : vector<16xf32> to vector<1x1x16xf32>
        tpu.vector_store %arg7[%swap3A_402, %swap3A_403, %swap3A_404], %swap3A_407 {add = true, strides = array<i32>} : memref<4x200x64xf32, #tpu.memory_space<vmem>>, vector<1x1x16xf32>,
        %get3A_408 = arith.index_cast %scan3A_376 : i32 to index
        %get3A_409 = arith.constant 48 : index
        %get3A_410 = tpu.vector_load %arg8[%get3A_408, %get3A_409] {strides = array<i32>} : memref<200x64xf32, #tpu.memory_space<vmem>>, vector<1x16xf32>,
        %get3A_411 = vector.shape_cast %get3A_410 : vector<1x16xf32> to vector<16xf32>
        %swap3A_412 = arith.constant 3 : i32
        %swap3A_413 = arith.index_cast %swap3A_412 : i32 to index
        %swap3A_414 = arith.index_cast %scan3A_376 : i32 to index
        %swap3A_415 = arith.constant 48 : index
        %swap3A_416 = tpu.vector_load %arg7[%swap3A_413, %swap3A_414, %swap3A_415] {strides = array<i32>} : memref<4x200x64xf32, #tpu.memory_space<vmem>>, vector<1x1x16xf32>,
        %swap3A_417 = vector.shape_cast %swap3A_416 : vector<1x1x16xf32> to vector<16xf32>
        %swap3A_418 = vector.shape_cast %get3A_411 : vector<16xf32> to vector<1x1x16xf32>
        tpu.vector_store %arg7[%swap3A_413, %swap3A_414, %swap3A_415], %swap3A_418 {add = true, strides = array<i32>} : memref<4x200x64xf32, #tpu.memory_space<vmem>>, vector<1x1x16xf32>,
        %scan3A_419 = arith.constant 1 : i32
        %scan3A_420 = arith.addi %scan3A_376, %scan3A_419 : i32
        %get3A_421 = arith.index_cast %scan3A_420 : i32 to index
        %get3A_422 = arith.constant 0 : index
        %get3A_423 = tpu.vector_load %arg8[%get3A_421, %get3A_422] {strides = array<i32>} : memref<200x64xf32, #tpu.memory_space<vmem>>, vector<1x16xf32>,
        %get3A_424 = vector.shape_cast %get3A_423 : vector<1x16xf32> to vector<16xf32>
        %swap3A_425 = arith.constant 3 : i32
        %swap3A_426 = arith.index_cast %swap3A_425 : i32 to index
        %swap3A_427 = arith.index_cast %scan3A_420 : i32 to index
        %swap3A_428 = arith.constant 0 : index
        %swap3A_429 = tpu.vector_load %arg7[%swap3A_426, %swap3A_427, %swap3A_428] {strides = array<i32>} : memref<4x200x64xf32, #tpu.memory_space<vmem>>, vector<1x1x16xf32>,
        %swap3A_430 = vector.shape_cast %swap3A_429 : vector<1x1x16xf32> to vector<16xf32>
        %swap3A_431 = vector.shape_cast %get3A_424 : vector<16xf32> to vector<1x1x16xf32>
        tpu.vector_store %arg7[%swap3A_426, %swap3A_427, %swap3A_428], %swap3A_431 {add = true, strides = array<i32>} : memref<4x200x64xf32, #tpu.memory_space<vmem>>, vector<1x1x16xf32>,
        %get3A_432 = arith.index_cast %scan3A_420 : i32 to index
        %get3A_433 = arith.constant 16 : index
        %get3A_434 = tpu.vector_load %arg8[%get3A_432, %get3A_433] {strides = array<i32>} : memref<200x64xf32, #tpu.memory_space<vmem>>, vector<1x16xf32>,
        %get3A_435 = vector.shape_cast %get3A_434 : vector<1x16xf32> to vector<16xf32>
        %swap3A_436 = arith.constant 3 : i32
        %swap3A_437 = arith.index_cast %swap3A_436 : i32 to index
        %swap3A_438 = arith.index_cast %scan3A_420 : i32 to index
        %swap3A_439 = arith.constant 16 : index
        %swap3A_440 = tpu.vector_load %arg7[%swap3A_437, %swap3A_438, %swap3A_439] {strides = array<i32>} : memref<4x200x64xf32, #tpu.memory_space<vmem>>, vector<1x1x16xf32>,
        %swap3A_441 = vector.shape_cast %swap3A_440 : vector<1x1x16xf32> to vector<16xf32>
        %swap3A_442 = vector.shape_cast %get3A_435 : vector<16xf32> to vector<1x1x16xf32>
        tpu.vector_store %arg7[%swap3A_437, %swap3A_438, %swap3A_439], %swap3A_442 {add = true, strides = array<i32>} : memref<4x200x64xf32, #tpu.memory_space<vmem>>, vector<1x1x16xf32>,
        %get3A_443 = arith.index_cast %scan3A_420 : i32 to index
        %get3A_444 = arith.constant 32 : index
        %get3A_445 = tpu.vector_load %arg8[%get3A_443, %get3A_444] {strides = array<i32>} : memref<200x64xf32, #tpu.memory_space<vmem>>, vector<1x16xf32>,
        %get3A_446 = vector.shape_cast %get3A_445 : vector<1x16xf32> to vector<16xf32>
        %swap3A_447 = arith.constant 3 : i32
        %swap3A_448 = arith.index_cast %swap3A_447 : i32 to index
        %swap3A_449 = arith.index_cast %scan3A_420 : i32 to index
        %swap3A_450 = arith.constant 32 : index
        %swap3A_451 = tpu.vector_load %arg7[%swap3A_448, %swap3A_449, %swap3A_450] {strides = array<i32>} : memref<4x200x64xf32, #tpu.memory_space<vmem>>, vector<1x1x16xf32>,
        %swap3A_452 = vector.shape_cast %swap3A_451 : vector<1x1x16xf32> to vector<16xf32>
        %swap3A_453 = vector.shape_cast %get3A_446 : vector<16xf32> to vector<1x1x16xf32>
        tpu.vector_store %arg7[%swap3A_448, %swap3A_449, %swap3A_450], %swap3A_453 {add = true, strides = array<i32>} : memref<4x200x64xf32, #tpu.memory_space<vmem>>, vector<1x1x16xf32>,
        %get3A_454 = arith.index_cast %scan3A_420 : i32 to index
        %get3A_455 = arith.constant 48 : index
        %get3A_456 = tpu.vector_load %arg8[%get3A_454, %get3A_455] {strides = array<i32>} : memref<200x64xf32, #tpu.memory_space<vmem>>, vector<1x16xf32>,
        %get3A_457 = vector.shape_cast %get3A_456 : vector<1x16xf32> to vector<16xf32>
        %swap3A_458 = arith.constant 3 : i32
        %swap3A_459 = arith.index_cast %swap3A_458 : i32 to index
        %swap3A_460 = arith.index_cast %scan3A_420 : i32 to index
        %swap3A_461 = arith.constant 48 : index
        %swap3A_462 = tpu.vector_load %arg7[%swap3A_459, %swap3A_460, %swap3A_461] {strides = array<i32>} : memref<4x200x64xf32, #tpu.memory_space<vmem>>, vector<1x1x16xf32>,
        %swap3A_463 = vector.shape_cast %swap3A_462 : vector<1x1x16xf32> to vector<16xf32>
        %swap3A_464 = vector.shape_cast %get3A_457 : vector<16xf32> to vector<1x1x16xf32>
        tpu.vector_store %arg7[%swap3A_459, %swap3A_460, %swap3A_461], %swap3A_464 {add = true, strides = array<i32>} : memref<4x200x64xf32, #tpu.memory_space<vmem>>, vector<1x1x16xf32>,
        %scan3A_465 = arith.constant 2 : i32
        %scan3A_466 = arith.addi %scan3A_376, %scan3A_465 : i32
        %get3A_467 = arith.index_cast %scan3A_466 : i32 to index
        %get3A_468 = arith.constant 0 : index
        %get3A_469 = tpu.vector_load %arg8[%get3A_467, %get3A_468] {strides = array<i32>} : memref<200x64xf32, #tpu.memory_space<vmem>>, vector<1x16xf32>,
        %get3A_470 = vector.shape_cast %get3A_469 : vector<1x16xf32> to vector<16xf32>
        %swap3A_471 = arith.constant 3 : i32
        %swap3A_472 = arith.index_cast %swap3A_471 : i32 to index
        %swap3A_473 = arith.index_cast %scan3A_466 : i32 to index
        %swap3A_474 = arith.constant 0 : index
        %swap3A_475 = tpu.vector_load %arg7[%swap3A_472, %swap3A_473, %swap3A_474] {strides = array<i32>} : memref<4x200x64xf32, #tpu.memory_space<vmem>>, vector<1x1x16xf32>,
        %swap3A_476 = vector.shape_cast %swap3A_475 : vector<1x1x16xf32> to vector<16xf32>
        %swap3A_477 = vector.shape_cast %get3A_470 : vector<16xf32> to vector<1x1x16xf32>
        tpu.vector_store %arg7[%swap3A_472, %swap3A_473, %swap3A_474], %swap3A_477 {add = true, strides = array<i32>} : memref<4x200x64xf32, #tpu.memory_space<vmem>>, vector<1x1x16xf32>,
        %get3A_478 = arith.index_cast %scan3A_466 : i32 to index
        %get3A_479 = arith.constant 16 : index
        %get3A_480 = tpu.vector_load %arg8[%get3A_478, %get3A_479] {strides = array<i32>} : memref<200x64xf32, #tpu.memory_space<vmem>>, vector<1x16xf32>,
        %get3A_481 = vector.shape_cast %get3A_480 : vector<1x16xf32> to vector<16xf32>
        %swap3A_482 = arith.constant 3 : i32
        %swap3A_483 = arith.index_cast %swap3A_482 : i32 to index
        %swap3A_484 = arith.index_cast %scan3A_466 : i32 to index
        %swap3A_485 = arith.constant 16 : index
        %swap3A_486 = tpu.vector_load %arg7[%swap3A_483, %swap3A_484, %swap3A_485] {strides = array<i32>} : memref<4x200x64xf32, #tpu.memory_space<vmem>>, vector<1x1x16xf32>,
        %swap3A_487 = vector.shape_cast %swap3A_486 : vector<1x1x16xf32> to vector<16xf32>
        %swap3A_488 = vector.shape_cast %get3A_481 : vector<16xf32> to vector<1x1x16xf32>
        tpu.vector_store %arg7[%swap3A_483, %swap3A_484, %swap3A_485], %swap3A_488 {add = true, strides = array<i32>} : memref<4x200x64xf32, #tpu.memory_space<vmem>>, vector<1x1x16xf32>,
        %get3A_489 = arith.index_cast %scan3A_466 : i32 to index
        %get3A_490 = arith.constant 32 : index
        %get3A_491 = tpu.vector_load %arg8[%get3A_489, %get3A_490] {strides = array<i32>} : memref<200x64xf32, #tpu.memory_space<vmem>>, vector<1x16xf32>,
        %get3A_492 = vector.shape_cast %get3A_491 : vector<1x16xf32> to vector<16xf32>
        %swap3A_493 = arith.constant 3 : i32
        %swap3A_494 = arith.index_cast %swap3A_493 : i32 to index
        %swap3A_495 = arith.index_cast %scan3A_466 : i32 to index
        %swap3A_496 = arith.constant 32 : index
        %swap3A_497 = tpu.vector_load %arg7[%swap3A_494, %swap3A_495, %swap3A_496] {strides = array<i32>} : memref<4x200x64xf32, #tpu.memory_space<vmem>>, vector<1x1x16xf32>,
        %swap3A_498 = vector.shape_cast %swap3A_497 : vector<1x1x16xf32> to vector<16xf32>
        %swap3A_499 = vector.shape_cast %get3A_492 : vector<16xf32> to vector<1x1x16xf32>
        tpu.vector_store %arg7[%swap3A_494, %swap3A_495, %swap3A_496], %swap3A_499 {add = true, strides = array<i32>} : memref<4x200x64xf32, #tpu.memory_space<vmem>>, vector<1x1x16xf32>,
        %get3A_500 = arith.index_cast %scan3A_466 : i32 to index
        %get3A_501 = arith.constant 48 : index
        %get3A_502 = tpu.vector_load %arg8[%get3A_500, %get3A_501] {strides = array<i32>} : memref<200x64xf32, #tpu.memory_space<vmem>>, vector<1x16xf32>,
        %get3A_503 = vector.shape_cast %get3A_502 : vector<1x16xf32> to vector<16xf32>
        %swap3A_504 = arith.constant 3 : i32
        %swap3A_505 = arith.index_cast %swap3A_504 : i32 to index
        %swap3A_506 = arith.index_cast %scan3A_466 : i32 to index
        %swap3A_507 = arith.constant 48 : index
        %swap3A_508 = tpu.vector_load %arg7[%swap3A_505, %swap3A_506, %swap3A_507] {strides = array<i32>} : memref<4x200x64xf32, #tpu.memory_space<vmem>>, vector<1x1x16xf32>,
        %swap3A_509 = vector.shape_cast %swap3A_508 : vector<1x1x16xf32> to vector<16xf32>
        %swap3A_510 = vector.shape_cast %get3A_503 : vector<16xf32> to vector<1x1x16xf32>
        tpu.vector_store %arg7[%swap3A_505, %swap3A_506, %swap3A_507], %swap3A_510 {add = true, strides = array<i32>} : memref<4x200x64xf32, #tpu.memory_space<vmem>>, vector<1x1x16xf32>,
        %scan3A_511 = arith.constant 3 : i32
        %scan3A_512 = arith.addi %scan3A_376, %scan3A_511 : i32
        %get3A_513 = arith.index_cast %scan3A_512 : i32 to index
        %get3A_514 = arith.constant 0 : index
        %get3A_515 = tpu.vector_load %arg8[%get3A_513, %get3A_514] {strides = array<i32>} : memref<200x64xf32, #tpu.memory_space<vmem>>, vector<1x16xf32>,
        %get3A_516 = vector.shape_cast %get3A_515 : vector<1x16xf32> to vector<16xf32>
        %swap3A_517 = arith.constant 3 : i32
        %swap3A_518 = arith.index_cast %swap3A_517 : i32 to index
        %swap3A_519 = arith.index_cast %scan3A_512 : i32 to index
        %swap3A_520 = arith.constant 0 : index
        %swap3A_521 = tpu.vector_load %arg7[%swap3A_518, %swap3A_519, %swap3A_520] {strides = array<i32>} : memref<4x200x64xf32, #tpu.memory_space<vmem>>, vector<1x1x16xf32>,
        %swap3A_522 = vector.shape_cast %swap3A_521 : vector<1x1x16xf32> to vector<16xf32>
        %swap3A_523 = vector.shape_cast %get3A_516 : vector<16xf32> to vector<1x1x16xf32>
        tpu.vector_store %arg7[%swap3A_518, %swap3A_519, %swap3A_520], %swap3A_523 {add = true, strides = array<i32>} : memref<4x200x64xf32, #tpu.memory_space<vmem>>, vector<1x1x16xf32>,
        %get3A_524 = arith.index_cast %scan3A_512 : i32 to index
        %get3A_525 = arith.constant 16 : index
        %get3A_526 = tpu.vector_load %arg8[%get3A_524, %get3A_525] {strides = array<i32>} : memref<200x64xf32, #tpu.memory_space<vmem>>, vector<1x16xf32>,
        %get3A_527 = vector.shape_cast %get3A_526 : vector<1x16xf32> to vector<16xf32>
        %swap3A_528 = arith.constant 3 : i32
        %swap3A_529 = arith.index_cast %swap3A_528 : i32 to index
        %swap3A_530 = arith.index_cast %scan3A_512 : i32 to index
        %swap3A_531 = arith.constant 16 : index
        %swap3A_532 = tpu.vector_load %arg7[%swap3A_529, %swap3A_530, %swap3A_531] {strides = array<i32>} : memref<4x200x64xf32, #tpu.memory_space<vmem>>, vector<1x1x16xf32>,
        %swap3A_533 = vector.shape_cast %swap3A_532 : vector<1x1x16xf32> to vector<16xf32>
        %swap3A_534 = vector.shape_cast %get3A_527 : vector<16xf32> to vector<1x1x16xf32>
        tpu.vector_store %arg7[%swap3A_529, %swap3A_530, %swap3A_531], %swap3A_534 {add = true, strides = array<i32>} : memref<4x200x64xf32, #tpu.memory_space<vmem>>, vector<1x1x16xf32>,
        %get3A_535 = arith.index_cast %scan3A_512 : i32 to index
        %get3A_536 = arith.constant 32 : index
        %get3A_537 = tpu.vector_load %arg8[%get3A_535, %get3A_536] {strides = array<i32>} : memref<200x64xf32, #tpu.memory_space<vmem>>, vector<1x16xf32>,
        %get3A_538 = vector.shape_cast %get3A_537 : vector<1x16xf32> to vector<16xf32>
        %swap3A_539 = arith.constant 3 : i32
        %swap3A_540 = arith.index_cast %swap3A_539 : i32 to index
        %swap3A_541 = arith.index_cast %scan3A_512 : i32 to index
        %swap3A_542 = arith.constant 32 : index
        %swap3A_543 = tpu.vector_load %arg7[%swap3A_540, %swap3A_541, %swap3A_542] {strides = array<i32>} : memref<4x200x64xf32, #tpu.memory_space<vmem>>, vector<1x1x16xf32>,
        %swap3A_544 = vector.shape_cast %swap3A_543 : vector<1x1x16xf32> to vector<16xf32>
        %swap3A_545 = vector.shape_cast %get3A_538 : vector<16xf32> to vector<1x1x16xf32>
        tpu.vector_store %arg7[%swap3A_540, %swap3A_541, %swap3A_542], %swap3A_545 {add = true, strides = array<i32>} : memref<4x200x64xf32, #tpu.memory_space<vmem>>, vector<1x1x16xf32>,
        %get3A_546 = arith.index_cast %scan3A_512 : i32 to index
        %get3A_547 = arith.constant 48 : index
        %get3A_548 = tpu.vector_load %arg8[%get3A_546, %get3A_547] {strides = array<i32>} : memref<200x64xf32, #tpu.memory_space<vmem>>, vector<1x16xf32>,
        %get3A_549 = vector.shape_cast %get3A_548 : vector<1x16xf32> to vector<16xf32>
        %swap3A_550 = arith.constant 3 : i32
        %swap3A_551 = arith.index_cast %swap3A_550 : i32 to index
        %swap3A_552 = arith.index_cast %scan3A_512 : i32 to index
        %swap3A_553 = arith.constant 48 : index
        %swap3A_554 = tpu.vector_load %arg7[%swap3A_551, %swap3A_552, %swap3A_553] {strides = array<i32>} : memref<4x200x64xf32, #tpu.memory_space<vmem>>, vector<1x1x16xf32>,
        %swap3A_555 = vector.shape_cast %swap3A_554 : vector<1x1x16xf32> to vector<16xf32>
        %swap3A_556 = vector.shape_cast %get3A_549 : vector<16xf32> to vector<1x1x16xf32>
        tpu.vector_store %arg7[%swap3A_551, %swap3A_552, %swap3A_553], %swap3A_556 {add = true, strides = array<i32>} : memref<4x200x64xf32, #tpu.memory_space<vmem>>, vector<1x1x16xf32>,
      }
      %scan3A_337 = arith.constant 200 : i32
      %add3A_338 = arith.addi %mul3A_2, %add3A_316 : i32
      %dma_start3A_339 = arith.constant 3 : i32
      %dma_start3A_340 = arith.constant 3 : i32
      %dma_start3A_341 = arith.constant 0 : i32
      %dma_start3A_342 = arith.constant 0 : i32
      %dma_start3A_343 = tpu.memref_slice %arg7[%dma_start3A_339, %dma_start3A_341, %dma_start3A_342] : memref<4x200x64xf32, #tpu.memory_space<vmem>> -> memref<1x200x64xf32, #tpu.memory_space<vmem>>
      %dma_start3A_344 = tpu.memref_squeeze %dma_start3A_343 : memref<1x200x64xf32, #tpu.memory_space<vmem>> -> memref<200x64xf32, #tpu.memory_space<vmem>>
      %dma_start3A_345 = arith.constant 0 : i32
      %dma_start3A_346 = arith.constant 0 : i32
      %dma_start3A_347 = tpu.memref_slice %arg5[%add3A_338, %dma_start3A_345, %dma_start3A_346] : memref<4096x200x64xf32, #tpu.memory_space<hbm>> -> memref<1x200x64xf32, #tpu.memory_space<hbm>>
      %dma_start3A_348 = tpu.memref_squeeze %dma_start3A_347 : memref<1x200x64xf32, #tpu.memory_space<hbm>> -> memref<200x64xf32, #tpu.memory_space<hbm>>
      %dma_start3A_349 = tpu.memref_slice %arg10[%dma_start3A_340] : memref<4x!tpu.dma_semaphore, #tpu.memory_space<semaphore_mem>> -> memref<1x!tpu.dma_semaphore, #tpu.memory_space<semaphore_mem>>
      %dma_start3A_350 = tpu.memref_squeeze %dma_start3A_349 : memref<1x!tpu.dma_semaphore, #tpu.memory_space<semaphore_mem>> -> memref<!tpu.dma_semaphore, #tpu.memory_space<semaphore_mem>>
      %dma_start3A_351 = arith.constant 0 : i32
      %dma_start3A_352 = arith.constant 0 : i32
      %dma_start3A_353 = tpu.memref_slice %arg5[%add3A_338, %dma_start3A_351, %dma_start3A_352] : memref<4096x200x64xf32, #tpu.memory_space<hbm>> -> memref<1x200x64xf32, #tpu.memory_space<hbm>>
      %dma_start3A_354 = tpu.memref_squeeze %dma_start3A_353 : memref<1x200x64xf32, #tpu.memory_space<hbm>> -> memref<200x64xf32, #tpu.memory_space<hbm>>
      %dma_start3A_355 = arith.constant 0 : i32
      %dma_start3A_356 = arith.constant 0 : i32
      %dma_start3A_357 = tpu.memref_slice %arg7[%dma_start3A_339, %dma_start3A_355, %dma_start3A_356] : memref<4x200x64xf32, #tpu.memory_space<vmem>> -> memref<1x200x64xf32, #tpu.memory_space<vmem>>
      %dma_start3A_358 = tpu.memref_squeeze %dma_start3A_357 : memref<1x200x64xf32, #tpu.memory_space<vmem>> -> memref<200x64xf32, #tpu.memory_space<vmem>>
      tpu.enqueue_dma source(%dma_start3A_358 : memref<200x64xf32, #tpu.memory_space<vmem>>) target(%dma_start3A_354 : memref<200x64xf32, #tpu.memory_space<hbm>>) target_semaphore(%dma_start3A_350 : memref<!tpu.dma_semaphore, #tpu.memory_space<semaphore_mem>>)
      %add3A_359 = arith.constant 4 : i32
      %add3A_360 = arith.addi %add3A_316, %add3A_359 : i32
      %sub3A_361 = arith.constant 1 : i32
      %sub3A_362 = arith.subi %add3A_360, %sub3A_361 : i32
      %lt3A_363 = arith.constant 128 : i32
      %lt3A_364 = arith.cmpi slt, %sub3A_362, %lt3A_363 : i32
      %ge3A_365 = arith.constant 1 : i32
      %ge3A_366 = arith.cmpi sge, %add3A_316, %ge3A_365 : i32
      %and3A_367 = arith.andi %lt3A_364, %ge3A_366 : i1
      %convert_element_type3A_368 = arith.extui %and3A_367 : i1 to i32
      %cond3A_369 = arith.constant 0 : i32
      %cond3A_370 = arith.cmpi ne, %convert_element_type3A_368, %cond3A_369 : i32
      scf.if %cond3A_370 {
        %dma_wait3A_376 = arith.constant 2 : i32
        %dma_wait3A_377 = arith.constant 0 : i32
        %dma_wait3A_378 = arith.constant 2 : i32
        %dma_wait3A_379 = arith.constant 0 : i32
        %dma_wait3A_380 = arith.constant 0 : i32
        %dma_wait3A_381 = tpu.memref_slice %arg7[%dma_wait3A_376, %dma_wait3A_379, %dma_wait3A_380] : memref<4x200x64xf32, #tpu.memory_space<vmem>> -> memref<1x200x64xf32, #tpu.memory_space<vmem>>
        %dma_wait3A_382 = tpu.memref_squeeze %dma_wait3A_381 : memref<1x200x64xf32, #tpu.memory_space<vmem>> -> memref<200x64xf32, #tpu.memory_space<vmem>>
        %dma_wait3A_383 = arith.constant 0 : i32
        %dma_wait3A_384 = arith.constant 0 : i32
        %dma_wait3A_385 = tpu.memref_slice %arg5[%dma_wait3A_377, %dma_wait3A_383, %dma_wait3A_384] : memref<4096x200x64xf32, #tpu.memory_space<hbm>> -> memref<1x200x64xf32, #tpu.memory_space<hbm>>
        %dma_wait3A_386 = tpu.memref_squeeze %dma_wait3A_385 : memref<1x200x64xf32, #tpu.memory_space<hbm>> -> memref<200x64xf32, #tpu.memory_space<hbm>>
        %dma_wait3A_387 = tpu.memref_slice %arg10[%dma_wait3A_378] : memref<4x!tpu.dma_semaphore, #tpu.memory_space<semaphore_mem>> -> memref<1x!tpu.dma_semaphore, #tpu.memory_space<semaphore_mem>>
        %dma_wait3A_388 = tpu.memref_squeeze %dma_wait3A_387 : memref<1x!tpu.dma_semaphore, #tpu.memory_space<semaphore_mem>> -> memref<!tpu.dma_semaphore, #tpu.memory_space<semaphore_mem>>
        %dma_wait3A_389 = arith.constant 0 : i32
        %dma_wait3A_390 = arith.constant 0 : i32
        %dma_wait3A_391 = tpu.memref_slice %arg5[%dma_wait3A_377, %dma_wait3A_389, %dma_wait3A_390] : memref<4096x200x64xf32, #tpu.memory_space<hbm>> -> memref<1x200x64xf32, #tpu.memory_space<hbm>>
        %dma_wait3A_392 = tpu.memref_squeeze %dma_wait3A_391 : memref<1x200x64xf32, #tpu.memory_space<hbm>> -> memref<200x64xf32, #tpu.memory_space<hbm>>
        %dma_wait3A_393 = arith.constant 0 : i32
        %dma_wait3A_394 = arith.constant 0 : i32
        %dma_wait3A_395 = tpu.memref_slice %arg7[%dma_wait3A_376, %dma_wait3A_393, %dma_wait3A_394] : memref<4x200x64xf32, #tpu.memory_space<vmem>> -> memref<1x200x64xf32, #tpu.memory_space<vmem>>
        %dma_wait3A_396 = tpu.memref_squeeze %dma_wait3A_395 : memref<1x200x64xf32, #tpu.memory_space<vmem>> -> memref<200x64xf32, #tpu.memory_space<vmem>>
        tpu.wait_dma2 semaphore(%dma_wait3A_388 : memref<!tpu.dma_semaphore, #tpu.memory_space<semaphore_mem>>) src(%dma_wait3A_396 : memref<200x64xf32, #tpu.memory_space<vmem>>) dst(%dma_wait3A_392 : memref<200x64xf32, #tpu.memory_space<hbm>>)
      } else {
      }
      %lt3A_371 = arith.constant 128 : i32
      %lt3A_372 = arith.cmpi slt, %sub3A_362, %lt3A_371 : i32
      %convert_element_type3A_373 = arith.extui %lt3A_372 : i1 to i32
      %cond3A_374 = arith.constant 0 : i32
      %cond3A_375 = arith.cmpi ne, %convert_element_type3A_373, %cond3A_374 : i32
      scf.if %cond3A_375 {
        %dma_start3A_376 = arith.constant 2 : i32
        %dma_start3A_377 = arith.constant 2 : i32
        %dma_start3A_378 = arith.constant 0 : i32
        %dma_start3A_379 = arith.constant 0 : i32
        %dma_start3A_380 = tpu.memref_slice %arg7[%dma_start3A_376, %dma_start3A_378, %dma_start3A_379] : memref<4x200x64xf32, #tpu.memory_space<vmem>> -> memref<1x200x64xf32, #tpu.memory_space<vmem>>
        %dma_start3A_381 = tpu.memref_squeeze %dma_start3A_380 : memref<1x200x64xf32, #tpu.memory_space<vmem>> -> memref<200x64xf32, #tpu.memory_space<vmem>>
        %dma_start3A_382 = arith.constant 0 : i32
        %dma_start3A_383 = tpu.memref_slice %arg6[%sub3A_362, %dma_start3A_382] : memref<128x200xi32, #tpu.memory_space<vmem>> -> memref<1x200xi32, #tpu.memory_space<vmem>>
        %dma_start3A_384 = tpu.memref_squeeze %dma_start3A_383 : memref<1x200xi32, #tpu.memory_space<vmem>> -> memref<200xi32, #tpu.memory_space<vmem>>
        %dma_start3A_385 = arith.constant 0 : i32
        %dma_start3A_386 = arith.constant 0 : i32
        %dma_start3A_387 = tpu.memref_slice %arg2[%dma_start3A_385, %dma_start3A_386] : memref<1000000x64xf32, #tpu.memory_space<hbm>> -> memref<1000000x64xf32, #tpu.memory_space<hbm>>
        %dma_start3A_388 = tpu.memref_slice %arg9[%dma_start3A_377] : memref<4x!tpu.dma_semaphore, #tpu.memory_space<semaphore_mem>> -> memref<1x!tpu.dma_semaphore, #tpu.memory_space<semaphore_mem>>
        %dma_start3A_389 = tpu.memref_squeeze %dma_start3A_388 : memref<1x!tpu.dma_semaphore, #tpu.memory_space<semaphore_mem>> -> memref<!tpu.dma_semaphore, #tpu.memory_space<semaphore_mem>>
        tpu.enqueue_indirect_dma source(%dma_start3A_387 : memref<1000000x64xf32, #tpu.memory_space<hbm>>) target(%dma_start3A_381 : memref<200x64xf32, #tpu.memory_space<vmem>>) offsets(%dma_start3A_384 : memref<200xi32, #tpu.memory_space<vmem>>) semaphore(%dma_start3A_389 : memref<!tpu.dma_semaphore, #tpu.memory_space<semaphore_mem>>)
      } else {
      }
    }
    %scan3A_51 = arith.constant 32 : i32
    %dma_wait3A = arith.constant 0 : i32
    %dma_wait3A_52 = arith.constant 0 : i32
    %dma_wait3A_53 = arith.constant 0 : i32
    %dma_wait3A_54 = arith.constant 0 : i32
    %dma_wait3A_55 = arith.constant 0 : i32
    %dma_wait3A_56 = tpu.memref_slice %arg7[%dma_wait3A, %dma_wait3A_54, %dma_wait3A_55] : memref<4x200x64xf32, #tpu.memory_space<vmem>> -> memref<1x200x64xf32, #tpu.memory_space<vmem>>
    %dma_wait3A_57 = tpu.memref_squeeze %dma_wait3A_56 : memref<1x200x64xf32, #tpu.memory_space<vmem>> -> memref<200x64xf32, #tpu.memory_space<vmem>>
    %dma_wait3A_58 = arith.constant 0 : i32
    %dma_wait3A_59 = arith.constant 0 : i32
    %dma_wait3A_60 = tpu.memref_slice %arg5[%dma_wait3A_52, %dma_wait3A_58, %dma_wait3A_59] : memref<4096x200x64xf32, #tpu.memory_space<hbm>> -> memref<1x200x64xf32, #tpu.memory_space<hbm>>
    %dma_wait3A_61 = tpu.memref_squeeze %dma_wait3A_60 : memref<1x200x64xf32, #tpu.memory_space<hbm>> -> memref<200x64xf32, #tpu.memory_space<hbm>>
    %dma_wait3A_62 = tpu.memref_slice %arg10[%dma_wait3A_53] : memref<4x!tpu.dma_semaphore, #tpu.memory_space<semaphore_mem>> -> memref<1x!tpu.dma_semaphore, #tpu.memory_space<semaphore_mem>>
    %dma_wait3A_63 = tpu.memref_squeeze %dma_wait3A_62 : memref<1x!tpu.dma_semaphore, #tpu.memory_space<semaphore_mem>> -> memref<!tpu.dma_semaphore, #tpu.memory_space<semaphore_mem>>
    %dma_wait3A_64 = arith.constant 0 : i32
    %dma_wait3A_65 = arith.constant 0 : i32
    %dma_wait3A_66 = tpu.memref_slice %arg5[%dma_wait3A_52, %dma_wait3A_64, %dma_wait3A_65] : memref<4096x200x64xf32, #tpu.memory_space<hbm>> -> memref<1x200x64xf32, #tpu.memory_space<hbm>>
    %dma_wait3A_67 = tpu.memref_squeeze %dma_wait3A_66 : memref<1x200x64xf32, #tpu.memory_space<hbm>> -> memref<200x64xf32, #tpu.memory_space<hbm>>
    %dma_wait3A_68 = arith.constant 0 : i32
    %dma_wait3A_69 = arith.constant 0 : i32
    %dma_wait3A_70 = tpu.memref_slice %arg7[%dma_wait3A, %dma_wait3A_68, %dma_wait3A_69] : memref<4x200x64xf32, #tpu.memory_space<vmem>> -> memref<1x200x64xf32, #tpu.memory_space<vmem>>
    %dma_wait3A_71 = tpu.memref_squeeze %dma_wait3A_70 : memref<1x200x64xf32, #tpu.memory_space<vmem>> -> memref<200x64xf32, #tpu.memory_space<vmem>>
    tpu.wait_dma2 semaphore(%dma_wait3A_63 : memref<!tpu.dma_semaphore, #tpu.memory_space<semaphore_mem>>) src(%dma_wait3A_71 : memref<200x64xf32, #tpu.memory_space<vmem>>) dst(%dma_wait3A_67 : memref<200x64xf32, #tpu.memory_space<hbm>>)
    %dma_wait3A_72 = arith.constant 1 : i32
    %dma_wait3A_73 = arith.constant 0 : i32
    %dma_wait3A_74 = arith.constant 1 : i32
    %dma_wait3A_75 = arith.constant 0 : i32
    %dma_wait3A_76 = arith.constant 0 : i32
    %dma_wait3A_77 = tpu.memref_slice %arg7[%dma_wait3A_72, %dma_wait3A_75, %dma_wait3A_76] : memref<4x200x64xf32, #tpu.memory_space<vmem>> -> memref<1x200x64xf32, #tpu.memory_space<vmem>>
    %dma_wait3A_78 = tpu.memref_squeeze %dma_wait3A_77 : memref<1x200x64xf32, #tpu.memory_space<vmem>> -> memref<200x64xf32, #tpu.memory_space<vmem>>
    %dma_wait3A_79 = arith.constant 0 : i32
    %dma_wait3A_80 = arith.constant 0 : i32
    %dma_wait3A_81 = tpu.memref_slice %arg5[%dma_wait3A_73, %dma_wait3A_79, %dma_wait3A_80] : memref<4096x200x64xf32, #tpu.memory_space<hbm>> -> memref<1x200x64xf32, #tpu.memory_space<hbm>>
    %dma_wait3A_82 = tpu.memref_squeeze %dma_wait3A_81 : memref<1x200x64xf32, #tpu.memory_space<hbm>> -> memref<200x64xf32, #tpu.memory_space<hbm>>
    %dma_wait3A_83 = tpu.memref_slice %arg10[%dma_wait3A_74] : memref<4x!tpu.dma_semaphore, #tpu.memory_space<semaphore_mem>> -> memref<1x!tpu.dma_semaphore, #tpu.memory_space<semaphore_mem>>
    %dma_wait3A_84 = tpu.memref_squeeze %dma_wait3A_83 : memref<1x!tpu.dma_semaphore, #tpu.memory_space<semaphore_mem>> -> memref<!tpu.dma_semaphore, #tpu.memory_space<semaphore_mem>>
    %dma_wait3A_85 = arith.constant 0 : i32
    %dma_wait3A_86 = arith.constant 0 : i32
    %dma_wait3A_87 = tpu.memref_slice %arg5[%dma_wait3A_73, %dma_wait3A_85, %dma_wait3A_86] : memref<4096x200x64xf32, #tpu.memory_space<hbm>> -> memref<1x200x64xf32, #tpu.memory_space<hbm>>
    %dma_wait3A_88 = tpu.memref_squeeze %dma_wait3A_87 : memref<1x200x64xf32, #tpu.memory_space<hbm>> -> memref<200x64xf32, #tpu.memory_space<hbm>>
    %dma_wait3A_89 = arith.constant 0 : i32
    %dma_wait3A_90 = arith.constant 0 : i32
    %dma_wait3A_91 = tpu.memref_slice %arg7[%dma_wait3A_72, %dma_wait3A_89, %dma_wait3A_90] : memref<4x200x64xf32, #tpu.memory_space<vmem>> -> memref<1x200x64xf32, #tpu.memory_space<vmem>>
    %dma_wait3A_92 = tpu.memref_squeeze %dma_wait3A_91 : memref<1x200x64xf32, #tpu.memory_space<vmem>> -> memref<200x64xf32, #tpu.memory_space<vmem>>
    tpu.wait_dma2 semaphore(%dma_wait3A_84 : memref<!tpu.dma_semaphore, #tpu.memory_space<semaphore_mem>>) src(%dma_wait3A_92 : memref<200x64xf32, #tpu.memory_space<vmem>>) dst(%dma_wait3A_88 : memref<200x64xf32, #tpu.memory_space<hbm>>)
    %dma_wait3A_93 = arith.constant 2 : i32
    %dma_wait3A_94 = arith.constant 0 : i32
    %dma_wait3A_95 = arith.constant 2 : i32
    %dma_wait3A_96 = arith.constant 0 : i32
    %dma_wait3A_97 = arith.constant 0 : i32
    %dma_wait3A_98 = tpu.memref_slice %arg7[%dma_wait3A_93, %dma_wait3A_96, %dma_wait3A_97] : memref<4x200x64xf32, #tpu.memory_space<vmem>> -> memref<1x200x64xf32, #tpu.memory_space<vmem>>
    %dma_wait3A_99 = tpu.memref_squeeze %dma_wait3A_98 : memref<1x200x64xf32, #tpu.memory_space<vmem>> -> memref<200x64xf32, #tpu.memory_space<vmem>>
    %dma_wait3A_100 = arith.constant 0 : i32
    %dma_wait3A_101 = arith.constant 0 : i32
    %dma_wait3A_102 = tpu.memref_slice %arg5[%dma_wait3A_94, %dma_wait3A_100, %dma_wait3A_101] : memref<4096x200x64xf32, #tpu.memory_space<hbm>> -> memref<1x200x64xf32, #tpu.memory_space<hbm>>
    %dma_wait3A_103 = tpu.memref_squeeze %dma_wait3A_102 : memref<1x200x64xf32, #tpu.memory_space<hbm>> -> memref<200x64xf32, #tpu.memory_space<hbm>>
    %dma_wait3A_104 = tpu.memref_slice %arg10[%dma_wait3A_95] : memref<4x!tpu.dma_semaphore, #tpu.memory_space<semaphore_mem>> -> memref<1x!tpu.dma_semaphore, #tpu.memory_space<semaphore_mem>>
    %dma_wait3A_105 = tpu.memref_squeeze %dma_wait3A_104 : memref<1x!tpu.dma_semaphore, #tpu.memory_space<semaphore_mem>> -> memref<!tpu.dma_semaphore, #tpu.memory_space<semaphore_mem>>
    %dma_wait3A_106 = arith.constant 0 : i32
    %dma_wait3A_107 = arith.constant 0 : i32
    %dma_wait3A_108 = tpu.memref_slice %arg5[%dma_wait3A_94, %dma_wait3A_106, %dma_wait3A_107] : memref<4096x200x64xf32, #tpu.memory_space<hbm>> -> memref<1x200x64xf32, #tpu.memory_space<hbm>>
    %dma_wait3A_109 = tpu.memref_squeeze %dma_wait3A_108 : memref<1x200x64xf32, #tpu.memory_space<hbm>> -> memref<200x64xf32, #tpu.memory_space<hbm>>
    %dma_wait3A_110 = arith.constant 0 : i32
    %dma_wait3A_111 = arith.constant 0 : i32
    %dma_wait3A_112 = tpu.memref_slice %arg7[%dma_wait3A_93, %dma_wait3A_110, %dma_wait3A_111] : memref<4x200x64xf32, #tpu.memory_space<vmem>> -> memref<1x200x64xf32, #tpu.memory_space<vmem>>
    %dma_wait3A_113 = tpu.memref_squeeze %dma_wait3A_112 : memref<1x200x64xf32, #tpu.memory_space<vmem>> -> memref<200x64xf32, #tpu.memory_space<vmem>>
    tpu.wait_dma2 semaphore(%dma_wait3A_105 : memref<!tpu.dma_semaphore, #tpu.memory_space<semaphore_mem>>) src(%dma_wait3A_113 : memref<200x64xf32, #tpu.memory_space<vmem>>) dst(%dma_wait3A_109 : memref<200x64xf32, #tpu.memory_space<hbm>>)
    %dma_wait3A_114 = arith.constant 3 : i32
    %dma_wait3A_115 = arith.constant 0 : i32
    %dma_wait3A_116 = arith.constant 3 : i32
    %dma_wait3A_117 = arith.constant 0 : i32
    %dma_wait3A_118 = arith.constant 0 : i32
    %dma_wait3A_119 = tpu.memref_slice %arg7[%dma_wait3A_114, %dma_wait3A_117, %dma_wait3A_118] : memref<4x200x64xf32, #tpu.memory_space<vmem>> -> memref<1x200x64xf32, #tpu.memory_space<vmem>>
    %dma_wait3A_120 = tpu.memref_squeeze %dma_wait3A_119 : memref<1x200x64xf32, #tpu.memory_space<vmem>> -> memref<200x64xf32, #tpu.memory_space<vmem>>
    %dma_wait3A_121 = arith.constant 0 : i32
    %dma_wait3A_122 = arith.constant 0 : i32
    %dma_wait3A_123 = tpu.memref_slice %arg5[%dma_wait3A_115, %dma_wait3A_121, %dma_wait3A_122] : memref<4096x200x64xf32, #tpu.memory_space<hbm>> -> memref<1x200x64xf32, #tpu.memory_space<hbm>>
    %dma_wait3A_124 = tpu.memref_squeeze %dma_wait3A_123 : memref<1x200x64xf32, #tpu.memory_space<hbm>> -> memref<200x64xf32, #tpu.memory_space<hbm>>
    %dma_wait3A_125 = tpu.memref_slice %arg10[%dma_wait3A_116] : memref<4x!tpu.dma_semaphore, #tpu.memory_space<semaphore_mem>> -> memref<1x!tpu.dma_semaphore, #tpu.memory_space<semaphore_mem>>
    %dma_wait3A_126 = tpu.memref_squeeze %dma_wait3A_125 : memref<1x!tpu.dma_semaphore, #tpu.memory_space<semaphore_mem>> -> memref<!tpu.dma_semaphore, #tpu.memory_space<semaphore_mem>>
    %dma_wait3A_127 = arith.constant 0 : i32
    %dma_wait3A_128 = arith.constant 0 : i32
    %dma_wait3A_129 = tpu.memref_slice %arg5[%dma_wait3A_115, %dma_wait3A_127, %dma_wait3A_128] : memref<4096x200x64xf32, #tpu.memory_space<hbm>> -> memref<1x200x64xf32, #tpu.memory_space<hbm>>
    %dma_wait3A_130 = tpu.memref_squeeze %dma_wait3A_129 : memref<1x200x64xf32, #tpu.memory_space<hbm>> -> memref<200x64xf32, #tpu.memory_space<hbm>>
    %dma_wait3A_131 = arith.constant 0 : i32
    %dma_wait3A_132 = arith.constant 0 : i32
    %dma_wait3A_133 = tpu.memref_slice %arg7[%dma_wait3A_114, %dma_wait3A_131, %dma_wait3A_132] : memref<4x200x64xf32, #tpu.memory_space<vmem>> -> memref<1x200x64xf32, #tpu.memory_space<vmem>>
    %dma_wait3A_134 = tpu.memref_squeeze %dma_wait3A_133 : memref<1x200x64xf32, #tpu.memory_space<vmem>> -> memref<200x64xf32, #tpu.memory_space<vmem>>
    tpu.wait_dma2 semaphore(%dma_wait3A_126 : memref<!tpu.dma_semaphore, #tpu.memory_space<semaphore_mem>>) src(%dma_wait3A_134 : memref<200x64xf32, #tpu.memory_space<vmem>>) dst(%dma_wait3A_130 : memref<200x64xf32, #tpu.memory_space<hbm>>)
    return
  }
}

</mosaic_0001>

<sc_bundles>
// kernel: kernel.3.cloned.1.call-start
scs
__scs_entry_jumppad:
0x0: {  	(pc) =	sbr.rel $0x88, $3  }
0x1: {  	(tag) =	ssettag $0x0;
	lr =	simm.s32 $0x1  }
0x2: {  	[smem:$0x3F9E] =	sst lr;
	_ =	strace $0xD0000000  }
0x3: {  	_ = 	snop  }
0x4: {  	_ = 	snop  }
0x5: {  	_ = 	snop  }
0x6: {  	_ = 	snop  }
0x7: {  	_ = 	snop  }
__scs_overlays_trampoline_lowered:
0x8: {  	[smem:$0x3FAD] =	sst s0  }
0x9: {  	[smem:$0x3FAE] =	sst s1  }
0xa: {  	[smem:$0x3FAF] =	sst s2  }
0xb: {  	[smem:$0x3FB0] =	sst s3  }
0xc: {  	[smem:$0x3FB1] =	sst s4  }
0xd: {  	[smem:$0x3FB2] =	sst s5  }
0xe: {  	[smem:$0x3FB3] =	sst s6  }
0xf: {  	[smem:$0x3FB4] =	sst s7  }
0x10: {  	[smem:$0x3FB5] =	sst s8  }
0x11: {  	[smem:$0x3FB6] =	sst s9;
	s0 =	simm.s32 @!p0 $0x0  }
0x12: {  	s1 =	sld [smem:$0x3F9C];
	s0 =	simm.s32 @p0 $0x1  }
0x13: {  	[smem:$0x3FB7] =	sst s0;
	s0 =	simm.s32 @!p1 $0x0  }
0x14: {  	s2 =	sld [smem:$0x3F9B];
	s0 =	simm.s32 @p1 $0x1  }
0x15: {  	[smem:$0x3FB8] =	sst s0;
	s0 =	simm.s32 @!p2 $0x0  }
0x16: {  	s3 =	sld [smem:$0x3FDB];
	s0 =	simm.s32 @p2 $0x1  }
0x17: {  	s4 =	simm.s32 $0x1BF5;
	[smem:$0x3FBA] =	sst s0  }
0x18: {  	s0 =	sld [smem:$0x3F9D];
	_ =	swait.ge [sflag:s4], $0x0  }
0x19: {  	s7 =	sld [smem:$0x3F9E]  }
0x1a: {  	s8 =	sadd.s32 $0xFFFFE003, lr  }
0x1b: {  	s9 =	sadd.s32 $0xFFFFFEF7, lr;
	s5 =	simm.s32 $0xFFFFFFFF;
	p2 =	slt.u32 s8, $0xFFFFF086  }
0x1c: {  	p1 =	slt.u32 s9, $0xF7A;
	s5 =	simm.s32 @!p2 $0x0  }
0x1d: {  	s5 =	simm.s32 @p1 $0x1;
	p0 =	seq.s32 s7, s2  }
0x1e: {  	s7 =	smul.u32 @!p0 $0xF7A, s2;
	p2 =	seq.s32 @!p0 s5, $0x0  }
0x1f: {  	s9 =	smul.u32 $0xF7A, s1;
	s8 =	simm.s32 @!p0 $0x1BF5;
	p2 =	por !p2, p0  }
0x20: {  	[sflag:s8] =	ssyncset.s32 @!p0 $0xFFFFF086;
	s6 =	sadd.s32 @!p0 s3, s7;
	s7 =	simm.s32 @!p0 $0x108  }
0x21: {  	s3 =	sadd.s32 s3, s9;
	s6 =	sadd.s32 @!p0 $0x88, s6;
	s7 =	simm.s32 @p2 $0x1082  }
0x22: {  	[simem:s7], [sflag:s8] =	dma.local @!p0 [hbm:s6], $0xF7A  }
0x23: {  	s9 =	sor.u32 $0xD0000000, s2;
	s6 =	simm.s32 $0x108;
	_ =	swait.ge @!p0 [sflag:s8], $0x0  }
0x24: {  	s3 =	sadd.s32 $0x88, s3;
	s6 =	simm.s32 @!p1 $0x1082;
	[sflag:s4] =	ssyncset.s32 $0xFFFFF086  }
0x25: {  	[simem:s6], [sflag:s4] =	dma.local [hbm:s3], $0xF7A  }
0x26: {  	[smem:$0x3F9E] =	sst s1;
	(tag) =	ssettag s2;
	_ =	strace s9  }
0x27: {  	s1 =	sld [smem:$0x3FAE]  }
0x28: {  	s2 =	sld [smem:$0x3FAF]  }
0x29: {  	s4 =	sld [smem:$0x3FB1]  }
0x2a: {  	p0 =	seq.s32 s5, $0x0;
	s5 =	sld [smem:$0x3FB2]  }
0x2b: {  	s6 =	sld [smem:$0x3FB3]  }
0x2c: {  	s7 =	sld [smem:$0x3FB4]  }
0x2d: {  	s3 =	simm.s32 $0x108;
	s8 =	sld [smem:$0x3FB5]  }
0x2e: {  	s3 =	simm.s32 @!p0 $0x1082;
	s9 =	sld [smem:$0x3FB6]  }
0x2f: {  	lr =	sadd.s32 s0, s3;
	s0 =	sld [smem:$0x3FAD]  }
0x30: {  	s3 =	sld [smem:$0x3FB0]  }
0x31: {  	[smem:$0x3FB9] =	sst s10  }
0x32: {  	s10 =	sld [smem:$0x3FB7];
	_ =	sdelay $0x3  }
0x33: {  	p0 =	seq.s32 s10, $0x1;
	s10 =	sld [smem:$0x3FB9];
	_ =	sdelay $0x3  }
0x34: {  	[smem:$0x3FB9] =	sst s10  }
0x35: {  	s10 =	sld [smem:$0x3FB8];
	_ =	sdelay $0x3  }
0x36: {  	p1 =	seq.s32 s10, $0x1;
	s10 =	sld [smem:$0x3FB9];
	_ =	sdelay $0x3  }
0x37: {  	[smem:$0x3FB9] =	sst s10  }
0x38: {  	s10 =	sld [smem:$0x3FBA]  }
0x39: {  	_ = 	snop;
	(pc) =	sbr.ind lr, $3  }
0x3a: {  	_ = 	snop  }
0x3b: {  	_ = 	snop  }
0x3c: {  	p2 =	seq.s32 s10, $0x1;
	s10 =	sld [smem:$0x3FB9]  }
0x3d: {  	_ =	shalt  }
0x3e: {  	_ =	shalt  }
0x3f: {  	_ =	shalt  }
0x40: {  	_ =	shalt  }
0x41: {  	_ =	shalt  }
0x42: {  	_ =	shalt  }
0x43: {  	_ =	shalt  }
0x44: {  	_ =	shalt  }
0x45: {  	_ =	shalt  }
0x46: {  	_ =	shalt  }
0x47: {  	_ =	shalt  }
0x48: {  	_ =	shalt  }
0x49: {  	_ =	shalt  }
0x4a: {  	_ =	shalt  }
0x4b: {  	_ =	shalt  }
0x4c: {  	_ =	shalt  }
0x4d: {  	_ =	shalt  }
0x4e: {  	_ =	shalt  }
0x4f: {  	_ =	shalt  }
0x50: {  	_ =	shalt  }
0x51: {  	_ =	shalt  }
0x52: {  	_ =	shalt  }
0x53: {  	_ =	shalt  }
0x54: {  	_ =	shalt  }
0x55: {  	_ =	shalt  }
0x56: {  	_ =	shalt  }
0x57: {  	_ =	shalt  }
0x58: {  	_ =	shalt  }
0x59: {  	_ =	shalt  }
0x5a: {  	_ =	shalt  }
0x5b: {  	_ =	shalt  }
0x5c: {  	_ =	shalt  }
0x5d: {  	_ =	shalt  }
0x5e: {  	_ =	shalt  }
0x5f: {  	_ =	shalt  }
0x60: {  	_ =	shalt  }
0x61: {  	_ =	shalt  }
0x62: {  	_ =	shalt  }
0x63: {  	_ =	shalt  }
0x64: {  	_ =	shalt  }
0x65: {  	_ =	shalt  }
0x66: {  	_ =	shalt  }
0x67: {  	_ =	shalt  }
0x68: {  	_ =	shalt  }
0x69: {  	_ =	shalt  }
0x6a: {  	_ =	shalt  }
0x6b: {  	_ =	shalt  }
0x6c: {  	_ =	shalt  }
0x6d: {  	_ =	shalt  }
0x6e: {  	_ =	shalt  }
0x6f: {  	_ =	shalt  }
0x70: {  	_ =	shalt  }
0x71: {  	_ =	shalt  }
0x72: {  	_ =	shalt  }
0x73: {  	_ =	shalt  }
0x74: {  	_ =	shalt  }
0x75: {  	_ =	shalt  }
0x76: {  	_ =	shalt  }
0x77: {  	_ =	shalt  }
0x78: {  	_ =	shalt  }
0x79: {  	_ =	shalt  }
0x7a: {  	_ =	shalt  }
0x7b: {  	_ =	shalt  }
0x7c: {  	_ =	shalt  }
0x7d: {  	_ =	shalt  }
0x7e: {  	_ =	shalt  }
0x7f: {  	_ =	shalt  }
0x80: {  	_ =	shalt  }
0x81: {  	_ =	shalt  }
0x82: {  	_ =	shalt  }
0x83: {  	_ =	shalt  }
0x84: {  	_ =	shalt  }
0x85: {  	_ =	shalt  }
0x86: {  	_ =	shalt  }
0x87: {  	_ =	shalt  }
.Lfunc_end0:
.L_simem_size_0:
called_computation.1_lowered:
.L_overlay_start_0:
0x88: {  	s2 =	sld [smem:$0x3FD9]  }
0x89: {  	s3 =	sld [smem:$0x3FFE];
	_ =	sdelay $0x1  }
0x8a: {  	s1 =	srdreg.scid  }
0x8b: {  	s0 =	sand.u32 $0x1, s1  }
0x8c: {  	s17 =	sshll.u32 s0, $0xA;
	s2 =	sadd.s32 s3, s2  }
0x8d: {  	s2 =	sadd.s32 s2, s17  }
0x8e: {  	[smem:$0x3FC5] =	sst s2  }
0x8f: {  	_ = 	snop  }
0x90: {  	s2 =	sld [smem:$0x3FD0];
	(tm) =	ssettm $0x1  }
0x91: {  	s18 =	sld [smem:$0x3FFB];
	_ =	sdelay $0x3  }
0x92: {  	_ =	strace s18  }
0x93: {  	s3 =	sld [smem:$0x3FFC];
	_ =	sdelay $0x3  }
0x94: {  	_ =	strace s3  }
0x95: {  	s3 =	sld [smem:$0x3FFD];
	_ =	sdelay $0x3  }
0x96: {  	_ =	strace s3  }
0x97: {  	_ =	strace $0x8FFFFFFF  }
0x98: {  	s19 =	sld [smem:$0x3FDB];
	_ =	sdelay $0x1  }
0x99: {  	s4 =	simm.s32 $_scs_section_size  }
0x9a: {  	s5 =	simm.s32 $_size__tile_overlayer_lowered;
	s6 =	simm.s32 $_tile_overlayer_lowered  }
0x9b: {  	s22 =	simm.s32 $0x1BFF;
	s21 =	sshll.u32 s6, $0x1;
	s3 =	sadd.s32 s4, s19  }
0x9c: {  	s7 =	simm.s32 $0x0;
	s20 =	sshll.u32 s5, $0x1;
	s5 =	sadd.s32 s21, s3  }
0x9d: {  	[timem:s7], [sflag:s22] =	dma.local [hbm:s5], s20  }
0x9e: {  	_ =	swait.ge [sflag:s22], s20  }
0x9f: {  	s4 =	ssub.s32 $0x0, s20;
	[sflag:s22] =	ssyncset.done $0x0  }
0xa0: {  	[sflag:s22] =	ssyncadd.s32 s4;
	_ =	sdelay $0x1  }
0xa1: {  	s23 =	simm.s32 $0x1B8B  }
0xa2: {  	_ =	swait.ge [sflag:s23], $0x1  }
0xa3: {  	[sflag:s23] =	ssyncset.done $0x0  }
0xa4: {  	s25 =	simm.s32 $0x1B8E;
	s24 =	sld [smem:$0x3FFE];
	[sflag:s23] =	ssyncadd.s32 $0xFFFFFFFF  }
0xa5: {  	s26 =	simm.s32 $execute0_lowered;
	[smem:$0x3FD2] =	sst s25  }
0xa6: {  	s5 =	sshll.u32 s26, $0x1;
	_ =	strace $0x80000046;
	[dreg:$0x1] =	wrdreg $0xFFFFFFFF  }
0xa7: {  	s28 =	simm.s32 $_size_execute0_lowered;
	s3 =	sadd.s32 s3, s5;
	[dreg:$0x0] =	wrdreg $0x0  }
0xa8: {  	s5 =	sshll.u32 s28, $0x1;
	[dreg:$0x2] =	wrdreg s3  }
0xa9: {  	[dreg:$0x3] =	wrdreg s5  }
0xaa: {  	[dreg:$0x4] =	wrdreg $0xC0  }
0xab: {  	_ =	task [dreg:s7], $0x5FFFF  }
0xac: {  	[dreg:$0x1] =	wrdreg $0xFFFFFFFF  }
0xad: {  	[dreg:$0x0] =	wrdreg $0x60  }
0xae: {  	[dreg:$0x2] =	wrdreg s24  }
0xaf: {  	[dreg:$0x3] =	wrdreg s2  }
0xb0: {  	[dreg:$0x4] =	wrdreg $0x9  }
0xb1: {  	_ =	task.clear_ibuf [dreg:s7], $0x5FFFF;
	_ =	strace $0x90000046  }
0xb2: {  	s29 =	simm.s32 $0x9;
	_ =	strace $0x80000048  }
0xb3: {  	_ =	swait.ge [sflag:s29], $0x1  }
0xb4: {  	[sflag:s29] =	ssyncadd.s32 $0xFFFFFFFF  }
0xb5: {  	_ =	strace $0x90000048  }
0xb6: {  	_ =	sfence  }
0xb7: {  	s30 =	sld [smem:$0x0];
	_ =	sdelay $0x2  }
0xb8: {  	s31 =	sshll.u32 s1, $0xD;
	s1 =	sshrl.u32 s1, $0x2  }
0xb9: {  	s3 =	sand.u32 $0x4000, s31;
	s1 =	sadd.s32 s1, s30  }
0xba: {  	s0 =	sor.u32 s3, s0;
	s1 =	sshll.u32 s1, $0x11  }
0xbb: {  	s0 =	sor.u32 s1, s0  }
0xbc: {  	s0 =	sadd.s32 $0x8F2B, s0  }
0xbd: {  	[sflag:s0] =	ssyncadd.remote.s32 $0x1  }
0xbe: {  	_ =	sfence.sel $0xFFFF  }
0xbf: {  	[dreg:$0x0] =	wrdreg $0xFFFFFFFF;
	(pc) =	sbr.abs _section_cstart, $3  }
0xc0: {  	[dreg:$0x1] =	wrdreg $0xFFFFFFFF  }
0xc1: {  	_ =	task.clear_ibuf [dreg:s7], $0x2FFFF;
	_ =	strace $0x9FFFFFFF  }
0xc2: {  	(tm) =	ssettm $0x7FFFFFFF  }
0xc3: {  	_ =	shalt  }
tec
execute0_lowered:
.L_overlay_start_1:
0x0: {  	(tag) =	ssettag $0x1  }
0x1: {  	s0 =	srdreg.scid;
	s1 =	rddreg [dreg:$0x0]  }
0x2: {  	s3 =	stileid.u32;
	s2 =	rddreg [dreg:$0x1];
	s9 =	simm.s32 $0x9  }
0x3: {  	s10 =	simm.s32 $0x12C00;
	s11 =	simm.s32 $0xC8;
	s12 =	simm.s32 $0x6400  }
0x4: {  	s13 =	simm.s32 $0x9600;
	s14 =	simm.s32 $0x190;
	s15 =	simm.s32 $0xC800  }
0x5: {  	s16 =	simm.s32 $0x1;
	s17 =	simm.s32 $0xFA00;
	s18 =	simm.s32 $0x2  }
0x6: {  	s19 =	simm.s32 $0x3;
	s20 =	simm.s32 $0x4;
	s21 =	simm.s32 $0x5  }
0x7: {  	s22 =	simm.s32 $0x6;
	s23 =	simm.s32 $0x7;
	s0 =	sand.u32 $0x1, s0  }
0x8: {  	s24 =	simm.s32 $0x8;
	s4 =	sshll.u32 s3, $0x8;
	s5 =	sshll.u32 s0, $0x7  }
.Ltmp0:
0x9: {  	s3 =	simm.s32 $0x0;
	s4 =	sor.u32 s5, s4;
	(pc) =	sbr.rel .LBB2_1-.Ltmp0, $4  }
0xa: {  	[smem:$0x7FF] =	sst s3;
	s0 =	ssub.s32 $0x2, s0;
	s6 =	smul.u32 $0x19, s4  }
0xb: {  	s25 =	simm.s32 $0x0;
	_ =	strace $0x80000047;
	s8 =	sshrl.u32 s0, $0x1  }
0xc: {  	s5 =	sadd.s32 $0xF43000, s1;
	s0 =	ssub.s32 s0, s8;
	s7 =	sadd.s32 s6, s1  }
0xd: {  	s8 =	smax.u32 s0, $0x1;
	s6 =	sadd.s32 $0x19C00, s1;
	s7 =	sadd.s32 $0xC00, s7  }
.LBB2_12:
0xe: {  	_ =	swait.ge [sflag:s21], $0x3200  }
0xf: {  	[sflag:s21] =	ssyncset.done $0x0  }
0x10: {  	[sflag:s21] =	ssyncadd.s32 $0xFFFFCE00  }
0x11: {  	_ =	swait.ge [sflag:s22], $0x3200  }
0x12: {  	[sflag:s22] =	ssyncset.done $0x0  }
0x13: {  	s25 =	sadd.s32 $0x1, s25;
	[sflag:s22] =	ssyncadd.s32 $0xFFFFCE00  }
0x14: {  	p0 =	sne.s32 s25, s8;
	_ =	swait.ge [sflag:s23], $0x3200  }
.Ltmp1:
0x15: {  	[sflag:s23] =	ssyncset.done $0x0;
	(pc) =	sbr.rel @!p0 .LBB2_13-.Ltmp1, $4  }
0x16: {  	[sflag:s23] =	ssyncadd.s32 $0xFFFFCE00  }
0x17: {  	_ =	swait.ge [sflag:s24], $0x3200  }
0x18: {  	[sflag:s24] =	ssyncset.done $0x0  }
0x19: {  	[sflag:s24] =	ssyncadd.s32 $0xFFFFCE00  }
.LBB2_1:
0x1a: {  	[tilespmem:s3], [sflag:$0x9] =	stream.linear.gather [hbm4b:s7+s3], $0x6400, $0x38;
	[tilespmem:$0x15E00] =	vst v63  }
0x1b: {  	_ =	swait.ge [sflag:s9], $0x6400  }
0x1c: {  	[sflag:s9] =	ssyncset.done $0x0  }
0x1d: {  	[sflag:s9] =	ssyncadd.s32 $0xFFFF9C00  }
0x1e: {  	[tilespmem:s10], [sflag:$0x9] =	stream.linear.gather [hbm4b:s6+s3], $0x3200, $0x38;
	[tilespmem:$0x15E00] =	vst v63  }
0x1f: {  	_ =	swait.ge [sflag:s9], $0x3200  }
0x20: {  	[sflag:s9] =	ssyncset.done $0x0  }
0x21: {  	[sflag:s9] =	ssyncadd.s32 $0xFFFFCE00  }
0x22: {  	[tilespmem:s12], [sflag:$0x1] =	stream.indirect.gather [hbm4b:s5+s11], $0x40, s3, s11, $0xb8;
	[tilespmem:$0x15E00] =	vst v63  }
0x23: {  	_ = 	snop  }
0x24: {  	[tilespmem:s13], [sflag:$0x2] =	stream.indirect.gather [hbm4b:s5+s11], $0x40, s11, s11, $0xb8;
	[tilespmem:$0x15E00] =	vst v63  }
0x25: {  	s26 =	simm.s32 $0x0  }
0x26: {  	[tilespmem:s15], [sflag:$0x3] =	stream.indirect.gather [hbm4b:s5+s11], $0x40, s14, s11, $0xb8;
	[tilespmem:$0x15E00] =	vst v63  }
.LBB2_2:
0x27: {  	_ =	swait.ge [sflag:s16], $0x3200  }
0x28: {  	[sflag:s16] =	ssyncset.done $0x0  }
0x29: {  	s28 =	simm.s32 $0x0;
	[sflag:s16] =	ssyncadd.s32 $0xFFFFCE00  }
0x2a: {  	v0 =	vld [tilespmem:s28+$0x12CF0]  }
0x2b: {  	v1 =	vld [tilespmem:s28+$0x12C00]  }
0x2c: {  	v2 =	vld [tilespmem:s28+$0x12C10]  }
0x2d: {  	v3 =	vld [tilespmem:s28+$0x12C20]  }
0x2e: {  	v4 =	vld [tilespmem:s28+$0x12C30]  }
0x2f: {  	v5 =	vld [tilespmem:s28+$0x12C40]  }
0x30: {  	v6 =	vld [tilespmem:s28+$0x12C50]  }
0x31: {  	v7 =	vld [tilespmem:s28+$0x12C60]  }
0x32: {  	v8 =	vld [tilespmem:s28+$0x12C70]  }
0x33: {  	v9 =	vld [tilespmem:s28+$0x12C80]  }
0x34: {  	v10 =	vld [tilespmem:s28+$0x12C90]  }
0x35: {  	v11 =	vld [tilespmem:s28+$0x12CA0]  }
0x36: {  	v12 =	vld [tilespmem:s28+$0x12CB0]  }
0x37: {  	v13 =	vld [tilespmem:s28+$0x12CC0]  }
0x38: {  	v14 =	vld [tilespmem:s28+$0x12CD0]  }
0x39: {  	[tilespmem:s28+$0x64F0] =	vst.add.f32.msk $0xffff, v0  }
0x3a: {  	v0 =	vld [tilespmem:s28+$0x12CE0]  }
0x3b: {  	[tilespmem:s28+$0x6400] =	vst.add.f32.msk $0xffff, v1  }
0x3c: {  	[tilespmem:s28+$0x6410] =	vst.add.f32.msk $0xffff, v2  }
0x3d: {  	[tilespmem:s28+$0x6420] =	vst.add.f32.msk $0xffff, v3  }
0x3e: {  	[tilespmem:s28+$0x6430] =	vst.add.f32.msk $0xffff, v4  }
0x3f: {  	[tilespmem:s28+$0x6440] =	vst.add.f32.msk $0xffff, v5  }
0x40: {  	[tilespmem:s28+$0x6450] =	vst.add.f32.msk $0xffff, v6  }
0x41: {  	[tilespmem:s28+$0x6460] =	vst.add.f32.msk $0xffff, v7  }
0x42: {  	[tilespmem:s28+$0x6470] =	vst.add.f32.msk $0xffff, v8  }
0x43: {  	[tilespmem:s28+$0x6480] =	vst.add.f32.msk $0xffff, v9  }
0x44: {  	[tilespmem:s28+$0x6490] =	vst.add.f32.msk $0xffff, v10  }
0x45: {  	[tilespmem:s28+$0x64A0] =	vst.add.f32.msk $0xffff, v11  }
0x46: {  	[tilespmem:s28+$0x64B0] =	vst.add.f32.msk $0xffff, v12  }
0x47: {  	[tilespmem:s28+$0x64C0] =	vst.add.f32.msk $0xffff, v13  }
0x48: {  	s29 =	simm.s32 $0x0;
	s1 =	simm.s32 $0x400;
	[tilespmem:s28+$0x64D0] =	vst.add.f32.msk $0xffff, v14  }
.LBB2_3:
0x49: {  	s29 =	sadd.s32 $0x4, s29;
	[tilespmem:s28+$0x64E0] =	vst.add.f32.msk $0xffff, v0;
	s28 =	sshra.s32 s1, $0x2  }
0x4a: {  	v0 =	vld [tilespmem:s28+$0x12CF0];
	p0 =	slt.u32 s29, $0xC4  }
0x4b: {  	v1 =	vld [tilespmem:s28+$0x12C00]  }
0x4c: {  	v2 =	vld [tilespmem:s28+$0x12C10]  }
0x4d: {  	v3 =	vld [tilespmem:s28+$0x12C20]  }
0x4e: {  	v4 =	vld [tilespmem:s28+$0x12C30]  }
0x4f: {  	[tilespmem:s28+$0x64F0] =	vst.add.f32.msk $0xffff, v0  }
0x50: {  	v5 =	vld [tilespmem:s28+$0x12C40]  }
0x51: {  	v6 =	vld [tilespmem:s28+$0x12C50]  }
0x52: {  	v7 =	vld [tilespmem:s28+$0x12C60]  }
0x53: {  	v8 =	vld [tilespmem:s28+$0x12C70]  }
0x54: {  	v9 =	vld [tilespmem:s28+$0x12C80]  }
0x55: {  	v10 =	vld [tilespmem:s28+$0x12C90]  }
0x56: {  	v11 =	vld [tilespmem:s28+$0x12CA0]  }
0x57: {  	v12 =	vld [tilespmem:s28+$0x12CB0]  }
0x58: {  	v13 =	vld [tilespmem:s28+$0x12CC0]  }
0x59: {  	v14 =	vld [tilespmem:s28+$0x12CD0]  }
0x5a: {  	v0 =	vld [tilespmem:s28+$0x12CE0]  }
0x5b: {  	[tilespmem:s28+$0x6400] =	vst.add.f32.msk $0xffff, v1  }
0x5c: {  	[tilespmem:s28+$0x6410] =	vst.add.f32.msk $0xffff, v2  }
0x5d: {  	[tilespmem:s28+$0x6420] =	vst.add.f32.msk $0xffff, v3  }
0x5e: {  	[tilespmem:s28+$0x6430] =	vst.add.f32.msk $0xffff, v4  }
0x5f: {  	[tilespmem:s28+$0x6440] =	vst.add.f32.msk $0xffff, v5  }
0x60: {  	[tilespmem:s28+$0x6450] =	vst.add.f32.msk $0xffff, v6  }
0x61: {  	[tilespmem:s28+$0x6460] =	vst.add.f32.msk $0xffff, v7  }
0x62: {  	[tilespmem:s28+$0x6470] =	vst.add.f32.msk $0xffff, v8  }
0x63: {  	[tilespmem:s28+$0x6480] =	vst.add.f32.msk $0xffff, v9  }
.Ltmp2:
0x64: {  	[tilespmem:s28+$0x6490] =	vst.add.f32.msk $0xffff, v10;
	(pc) =	sbr.rel @p0 .LBB2_3-.Ltmp2, $4  }
0x65: {  	[tilespmem:s28+$0x64A0] =	vst.add.f32.msk $0xffff, v11  }
0x66: {  	[tilespmem:s28+$0x64B0] =	vst.add.f32.msk $0xffff, v12  }
0x67: {  	[tilespmem:s28+$0x64C0] =	vst.add.f32.msk $0xffff, v13  }
0x68: {  	s1 =	sadd.s32 $0x400, s1;
	[tilespmem:s28+$0x64D0] =	vst.add.f32.msk $0xffff, v14  }
0x69: {  	s29 =	sshll.u32 s26, $0x2  }
0x6a: {  	s0 =	sadd.s32 s4, s29  }
0x6b: {  	s0 =	smul.u32 $0x640, s0;
	_ =	sdelay $0x1  }
0x6c: {  	[tilespmem:s28+$0x64E0] =	vst.add.f32.msk $0xffff, v0;
	p0 =	seq.s32 s26, $0x0;
	s0 =	sadd.s32 s2, s0  }
0x6d: {  	[hbm4b:s0+s3] =	stream.linear.scatter [tilespmem:s12], [sflag:$0x5], $0x3200, $0x38;
	[tilespmem:$0x15E00] =	vst v63  }
0x6e: {  	s28 =	sshllo.u32 s26, $0x2;
	s0 =	simm.s32 @!p0 $0x8  }
0x6f: {  	s1 =	smul.u32 $0x320, s28;
	_ =	swait.ge @!p0 [sflag:s0], $0x3200  }
0x70: {  	[sflag:s0] =	ssyncset.done @!p0 $0x0  }
0x71: {  	s1 =	sshra.s32 s1, $0x2;
	[sflag:s0] =	ssyncadd.s32 @!p0 $0xFFFFCE00  }
0x72: {  	[tilespmem:s17], [sflag:$0x4] =	stream.indirect.gather [hbm4b:s5+s11], $0x40, s1, s11, $0xb8;
	[tilespmem:$0x15E00] =	vst v63  }
0x73: {  	_ =	swait.ge [sflag:s18], $0x3200  }
0x74: {  	[sflag:s18] =	ssyncset.done $0x0  }
0x75: {  	s30 =	simm.s32 $0x0;
	[sflag:s18] =	ssyncadd.s32 $0xFFFFCE00  }
0x76: {  	v0 =	vld [tilespmem:s30+$0x12CF0]  }
0x77: {  	v1 =	vld [tilespmem:s30+$0x12C00]  }
0x78: {  	v2 =	vld [tilespmem:s30+$0x12C10]  }
0x79: {  	v3 =	vld [tilespmem:s30+$0x12C20]  }
0x7a: {  	v4 =	vld [tilespmem:s30+$0x12C30]  }
0x7b: {  	v5 =	vld [tilespmem:s30+$0x12C40]  }
0x7c: {  	v6 =	vld [tilespmem:s30+$0x12C50]  }
0x7d: {  	v7 =	vld [tilespmem:s30+$0x12C60]  }
0x7e: {  	v8 =	vld [tilespmem:s30+$0x12C70]  }
0x7f: {  	v9 =	vld [tilespmem:s30+$0x12C80]  }
0x80: {  	v10 =	vld [tilespmem:s30+$0x12C90]  }
0x81: {  	v11 =	vld [tilespmem:s30+$0x12CA0]  }
0x82: {  	v12 =	vld [tilespmem:s30+$0x12CB0]  }
0x83: {  	v13 =	vld [tilespmem:s30+$0x12CC0]  }
0x84: {  	v14 =	vld [tilespmem:s30+$0x12CD0]  }
0x85: {  	[tilespmem:s30+$0x96F0] =	vst.add.f32.msk $0xffff, v0  }
0x86: {  	v0 =	vld [tilespmem:s30+$0x12CE0]  }
0x87: {  	[tilespmem:s30+$0x9600] =	vst.add.f32.msk $0xffff, v1  }
0x88: {  	[tilespmem:s30+$0x9610] =	vst.add.f32.msk $0xffff, v2  }
0x89: {  	[tilespmem:s30+$0x9620] =	vst.add.f32.msk $0xffff, v3  }
0x8a: {  	[tilespmem:s30+$0x9630] =	vst.add.f32.msk $0xffff, v4  }
0x8b: {  	[tilespmem:s30+$0x9640] =	vst.add.f32.msk $0xffff, v5  }
0x8c: {  	[tilespmem:s30+$0x9650] =	vst.add.f32.msk $0xffff, v6  }
0x8d: {  	[tilespmem:s30+$0x9660] =	vst.add.f32.msk $0xffff, v7  }
0x8e: {  	[tilespmem:s30+$0x9670] =	vst.add.f32.msk $0xffff, v8  }
0x8f: {  	[tilespmem:s30+$0x9680] =	vst.add.f32.msk $0xffff, v9  }
0x90: {  	[tilespmem:s30+$0x9690] =	vst.add.f32.msk $0xffff, v10  }
0x91: {  	[tilespmem:s30+$0x96A0] =	vst.add.f32.msk $0xffff, v11  }
0x92: {  	[tilespmem:s30+$0x96B0] =	vst.add.f32.msk $0xffff, v12  }
0x93: {  	[tilespmem:s30+$0x96C0] =	vst.add.f32.msk $0xffff, v13  }
0x94: {  	s31 =	simm.s32 $0x0;
	s1 =	simm.s32 $0x400;
	[tilespmem:s30+$0x96D0] =	vst.add.f32.msk $0xffff, v14  }
.LBB2_5:
0x95: {  	s31 =	sadd.s32 $0x4, s31;
	[tilespmem:s30+$0x96E0] =	vst.add.f32.msk $0xffff, v0;
	s30 =	sshra.s32 s1, $0x2  }
0x96: {  	v0 =	vld [tilespmem:s30+$0x12CF0];
	p0 =	slt.u32 s31, $0xC4  }
0x97: {  	v1 =	vld [tilespmem:s30+$0x12C00]  }
0x98: {  	v2 =	vld [tilespmem:s30+$0x12C10]  }
0x99: {  	v3 =	vld [tilespmem:s30+$0x12C20]  }
0x9a: {  	v4 =	vld [tilespmem:s30+$0x12C30]  }
0x9b: {  	[tilespmem:s30+$0x96F0] =	vst.add.f32.msk $0xffff, v0  }
0x9c: {  	v5 =	vld [tilespmem:s30+$0x12C40]  }
0x9d: {  	v6 =	vld [tilespmem:s30+$0x12C50]  }
0x9e: {  	v7 =	vld [tilespmem:s30+$0x12C60]  }
0x9f: {  	v8 =	vld [tilespmem:s30+$0x12C70]  }
0xa0: {  	v9 =	vld [tilespmem:s30+$0x12C80]  }
0xa1: {  	v10 =	vld [tilespmem:s30+$0x12C90]  }
0xa2: {  	v11 =	vld [tilespmem:s30+$0x12CA0]  }
0xa3: {  	v12 =	vld [tilespmem:s30+$0x12CB0]  }
0xa4: {  	v13 =	vld [tilespmem:s30+$0x12CC0]  }
0xa5: {  	v14 =	vld [tilespmem:s30+$0x12CD0]  }
0xa6: {  	v0 =	vld [tilespmem:s30+$0x12CE0]  }
0xa7: {  	[tilespmem:s30+$0x9600] =	vst.add.f32.msk $0xffff, v1  }
0xa8: {  	[tilespmem:s30+$0x9610] =	vst.add.f32.msk $0xffff, v2  }
0xa9: {  	[tilespmem:s30+$0x9620] =	vst.add.f32.msk $0xffff, v3  }
0xaa: {  	[tilespmem:s30+$0x9630] =	vst.add.f32.msk $0xffff, v4  }
0xab: {  	[tilespmem:s30+$0x9640] =	vst.add.f32.msk $0xffff, v5  }
0xac: {  	[tilespmem:s30+$0x9650] =	vst.add.f32.msk $0xffff, v6  }
0xad: {  	[tilespmem:s30+$0x9660] =	vst.add.f32.msk $0xffff, v7  }
0xae: {  	[tilespmem:s30+$0x9670] =	vst.add.f32.msk $0xffff, v8  }
0xaf: {  	[tilespmem:s30+$0x9680] =	vst.add.f32.msk $0xffff, v9  }
.Ltmp3:
0xb0: {  	[tilespmem:s30+$0x9690] =	vst.add.f32.msk $0xffff, v10;
	(pc) =	sbr.rel @p0 .LBB2_5-.Ltmp3, $4  }
0xb1: {  	[tilespmem:s30+$0x96A0] =	vst.add.f32.msk $0xffff, v11  }
0xb2: {  	[tilespmem:s30+$0x96B0] =	vst.add.f32.msk $0xffff, v12  }
0xb3: {  	[tilespmem:s30+$0x96C0] =	vst.add.f32.msk $0xffff, v13  }
0xb4: {  	s1 =	sadd.s32 $0x400, s1;
	[tilespmem:s30+$0x96D0] =	vst.add.f32.msk $0xffff, v14  }
0xb5: {  	s0 =	sadd.s32 s29, s4  }
0xb6: {  	s0 =	smul.u32 $0x640, s0;
	_ =	sdelay $0x1  }
0xb7: {  	s29 =	sadd.s32 s2, s0  }
0xb8: {  	[tilespmem:s30+$0x96E0] =	vst.add.f32.msk $0xffff, v0;
	p0 =	seq.s32 s26, $0x1F;
	s0 =	sadd.s32 $0x640, s29  }
0xb9: {  	[hbm4b:s0+s3] =	stream.linear.scatter [tilespmem:s13], [sflag:$0x6], $0x3200, $0x38;
	[tilespmem:$0x15E00] =	vst v63  }
0xba: {  	s1 =	smul.u32 @!p0 $0xC80, s26;
	s0 =	simm.s32 @!p0 $0x5  }
0xbb: {  	_ =	swait.ge @!p0 [sflag:s0], $0x3200  }
0xbc: {  	s31 =	simm.s32 @!p0 $0x6400;
	s30 =	sshra.s32 @!p0 s1, $0x2;
	[sflag:s0] =	ssyncset.done @!p0 $0x0  }
0xbd: {  	s1 =	simm.s32 @!p0 $0xC8;
	[sflag:s0] =	ssyncadd.s32 @!p0 $0xFFFFCE00;
	s0 =	sadd.s32 @!p0 $0x320, s30  }
0xbe: {  	[tilespmem:s31], [sflag:$0x1] =	stream.indirect.gather @!p0 [hbm4b:s5+s1], $0x40, s0, s1, $0xb8;
	[tilespmem:$0x15E00] =	vst v63  }
0xbf: {  	_ =	swait.ge [sflag:s19], $0x3200  }
0xc0: {  	[sflag:s19] =	ssyncset.done $0x0  }
0xc1: {  	s31 =	simm.s32 $0x0;
	[sflag:s19] =	ssyncadd.s32 $0xFFFFCE00  }
0xc2: {  	v0 =	vld [tilespmem:s31+$0x12CF0]  }
0xc3: {  	v1 =	vld [tilespmem:s31+$0x12C00]  }
0xc4: {  	v2 =	vld [tilespmem:s31+$0x12C10]  }
0xc5: {  	v3 =	vld [tilespmem:s31+$0x12C20]  }
0xc6: {  	v4 =	vld [tilespmem:s31+$0x12C30]  }
0xc7: {  	v5 =	vld [tilespmem:s31+$0x12C40]  }
0xc8: {  	v6 =	vld [tilespmem:s31+$0x12C50]  }
0xc9: {  	v7 =	vld [tilespmem:s31+$0x12C60]  }
0xca: {  	v8 =	vld [tilespmem:s31+$0x12C70]  }
0xcb: {  	v9 =	vld [tilespmem:s31+$0x12C80]  }
0xcc: {  	v10 =	vld [tilespmem:s31+$0x12C90]  }
0xcd: {  	v11 =	vld [tilespmem:s31+$0x12CA0]  }
0xce: {  	v12 =	vld [tilespmem:s31+$0x12CB0]  }
0xcf: {  	v13 =	vld [tilespmem:s31+$0x12CC0]  }
0xd0: {  	v14 =	vld [tilespmem:s31+$0x12CD0]  }
0xd1: {  	[tilespmem:s31+$0xC8F0] =	vst.add.f32.msk $0xffff, v0  }
0xd2: {  	v0 =	vld [tilespmem:s31+$0x12CE0]  }
0xd3: {  	[tilespmem:s31+$0xC800] =	vst.add.f32.msk $0xffff, v1  }
0xd4: {  	[tilespmem:s31+$0xC810] =	vst.add.f32.msk $0xffff, v2  }
0xd5: {  	[tilespmem:s31+$0xC820] =	vst.add.f32.msk $0xffff, v3  }
0xd6: {  	[tilespmem:s31+$0xC830] =	vst.add.f32.msk $0xffff, v4  }
0xd7: {  	[tilespmem:s31+$0xC840] =	vst.add.f32.msk $0xffff, v5  }
0xd8: {  	[tilespmem:s31+$0xC850] =	vst.add.f32.msk $0xffff, v6  }
0xd9: {  	[tilespmem:s31+$0xC860] =	vst.add.f32.msk $0xffff, v7  }
0xda: {  	[tilespmem:s31+$0xC870] =	vst.add.f32.msk $0xffff, v8  }
0xdb: {  	[tilespmem:s31+$0xC880] =	vst.add.f32.msk $0xffff, v9  }
0xdc: {  	[tilespmem:s31+$0xC890] =	vst.add.f32.msk $0xffff, v10  }
0xdd: {  	[tilespmem:s31+$0xC8A0] =	vst.add.f32.msk $0xffff, v11  }
0xde: {  	[tilespmem:s31+$0xC8B0] =	vst.add.f32.msk $0xffff, v12  }
0xdf: {  	[tilespmem:s31+$0xC8C0] =	vst.add.f32.msk $0xffff, v13  }
0xe0: {  	s1 =	simm.s32 $0x0;
	s0 =	simm.s32 $0x400;
	[tilespmem:s31+$0xC8D0] =	vst.add.f32.msk $0xffff, v14  }
.LBB2_7:
0xe1: {  	s1 =	sadd.s32 $0x4, s1;
	[tilespmem:s31+$0xC8E0] =	vst.add.f32.msk $0xffff, v0;
	s31 =	sshra.s32 s0, $0x2  }
0xe2: {  	v0 =	vld [tilespmem:s31+$0x12CF0];
	p1 =	slt.u32 s1, $0xC4  }
0xe3: {  	v1 =	vld [tilespmem:s31+$0x12C00]  }
0xe4: {  	v2 =	vld [tilespmem:s31+$0x12C10]  }
0xe5: {  	v3 =	vld [tilespmem:s31+$0x12C20]  }
0xe6: {  	v4 =	vld [tilespmem:s31+$0x12C30]  }
0xe7: {  	[tilespmem:s31+$0xC8F0] =	vst.add.f32.msk $0xffff, v0  }
0xe8: {  	v5 =	vld [tilespmem:s31+$0x12C40]  }
0xe9: {  	v6 =	vld [tilespmem:s31+$0x12C50]  }
0xea: {  	v7 =	vld [tilespmem:s31+$0x12C60]  }
0xeb: {  	v8 =	vld [tilespmem:s31+$0x12C70]  }
0xec: {  	v9 =	vld [tilespmem:s31+$0x12C80]  }
0xed: {  	v10 =	vld [tilespmem:s31+$0x12C90]  }
0xee: {  	v11 =	vld [tilespmem:s31+$0x12CA0]  }
0xef: {  	v12 =	vld [tilespmem:s31+$0x12CB0]  }
0xf0: {  	v13 =	vld [tilespmem:s31+$0x12CC0]  }
0xf1: {  	v14 =	vld [tilespmem:s31+$0x12CD0]  }
0xf2: {  	v0 =	vld [tilespmem:s31+$0x12CE0]  }
0xf3: {  	[tilespmem:s31+$0xC800] =	vst.add.f32.msk $0xffff, v1  }
0xf4: {  	[tilespmem:s31+$0xC810] =	vst.add.f32.msk $0xffff, v2  }
0xf5: {  	[tilespmem:s31+$0xC820] =	vst.add.f32.msk $0xffff, v3  }
0xf6: {  	[tilespmem:s31+$0xC830] =	vst.add.f32.msk $0xffff, v4  }
0xf7: {  	[tilespmem:s31+$0xC840] =	vst.add.f32.msk $0xffff, v5  }
0xf8: {  	[tilespmem:s31+$0xC850] =	vst.add.f32.msk $0xffff, v6  }
0xf9: {  	[tilespmem:s31+$0xC860] =	vst.add.f32.msk $0xffff, v7  }
0xfa: {  	[tilespmem:s31+$0xC870] =	vst.add.f32.msk $0xffff, v8  }
0xfb: {  	[tilespmem:s31+$0xC880] =	vst.add.f32.msk $0xffff, v9  }
.Ltmp4:
0xfc: {  	[tilespmem:s31+$0xC890] =	vst.add.f32.msk $0xffff, v10;
	(pc) =	sbr.rel @p1 .LBB2_7-.Ltmp4, $4  }
0xfd: {  	[tilespmem:s31+$0xC8A0] =	vst.add.f32.msk $0xffff, v11  }
0xfe: {  	[tilespmem:s31+$0xC8B0] =	vst.add.f32.msk $0xffff, v12  }
0xff: {  	[tilespmem:s31+$0xC8C0] =	vst.add.f32.msk $0xffff, v13  }
0x100: {  	s0 =	sadd.s32 $0x400, s0;
	[tilespmem:s31+$0xC8D0] =	vst.add.f32.msk $0xffff, v14  }
0x101: {  	[tilespmem:s31+$0xC8E0] =	vst.add.f32.msk $0xffff, v0;
	s0 =	sadd.s32 $0xC80, s29  }
0x102: {  	[hbm4b:s0+s3] =	stream.linear.scatter [tilespmem:s15], [sflag:$0x7], $0x3200, $0x38;
	[tilespmem:$0x15E00] =	vst v63  }
0x103: {  	s0 =	simm.s32 @!p0 $0x6  }
0x104: {  	_ =	swait.ge @!p0 [sflag:s0], $0x3200  }
0x105: {  	s1 =	simm.s32 @!p0 $0xC8;
	[sflag:s0] =	ssyncset.done @!p0 $0x0  }
0x106: {  	s29 =	simm.s32 @!p0 $0x9600;
	[sflag:s0] =	ssyncadd.s32 @!p0 $0xFFFFCE00;
	s0 =	sadd.s32 @!p0 $0x3E8, s30  }
0x107: {  	[tilespmem:s29], [sflag:$0x2] =	stream.indirect.gather @!p0 [hbm4b:s5+s1], $0x40, s0, s1, $0xb8;
	[tilespmem:$0x15E00] =	vst v63  }
0x108: {  	_ =	swait.ge [sflag:s20], $0x3200  }
0x109: {  	[sflag:s20] =	ssyncset.done $0x0  }
0x10a: {  	s29 =	simm.s32 $0x0;
	[sflag:s20] =	ssyncadd.s32 $0xFFFFCE00  }
0x10b: {  	v0 =	vld [tilespmem:s29+$0x12CF0]  }
0x10c: {  	v1 =	vld [tilespmem:s29+$0x12C00]  }
0x10d: {  	v2 =	vld [tilespmem:s29+$0x12C10]  }
0x10e: {  	v3 =	vld [tilespmem:s29+$0x12C20]  }
0x10f: {  	v4 =	vld [tilespmem:s29+$0x12C30]  }
0x110: {  	v5 =	vld [tilespmem:s29+$0x12C40]  }
0x111: {  	v6 =	vld [tilespmem:s29+$0x12C50]  }
0x112: {  	v7 =	vld [tilespmem:s29+$0x12C60]  }
0x113: {  	v8 =	vld [tilespmem:s29+$0x12C70]  }
0x114: {  	v9 =	vld [tilespmem:s29+$0x12C80]  }
0x115: {  	v10 =	vld [tilespmem:s29+$0x12C90]  }
0x116: {  	v11 =	vld [tilespmem:s29+$0x12CA0]  }
0x117: {  	v12 =	vld [tilespmem:s29+$0x12CB0]  }
0x118: {  	v13 =	vld [tilespmem:s29+$0x12CC0]  }
0x119: {  	v14 =	vld [tilespmem:s29+$0x12CD0]  }
0x11a: {  	[tilespmem:s29+$0xFAF0] =	vst.add.f32.msk $0xffff, v0  }
0x11b: {  	v0 =	vld [tilespmem:s29+$0x12CE0]  }
0x11c: {  	[tilespmem:s29+$0xFA00] =	vst.add.f32.msk $0xffff, v1  }
0x11d: {  	[tilespmem:s29+$0xFA10] =	vst.add.f32.msk $0xffff, v2  }
0x11e: {  	[tilespmem:s29+$0xFA20] =	vst.add.f32.msk $0xffff, v3  }
0x11f: {  	[tilespmem:s29+$0xFA30] =	vst.add.f32.msk $0xffff, v4  }
0x120: {  	[tilespmem:s29+$0xFA40] =	vst.add.f32.msk $0xffff, v5  }
0x121: {  	[tilespmem:s29+$0xFA50] =	vst.add.f32.msk $0xffff, v6  }
0x122: {  	[tilespmem:s29+$0xFA60] =	vst.add.f32.msk $0xffff, v7  }
0x123: {  	[tilespmem:s29+$0xFA70] =	vst.add.f32.msk $0xffff, v8  }
0x124: {  	[tilespmem:s29+$0xFA80] =	vst.add.f32.msk $0xffff, v9  }
0x125: {  	[tilespmem:s29+$0xFA90] =	vst.add.f32.msk $0xffff, v10  }
0x126: {  	[tilespmem:s29+$0xFAA0] =	vst.add.f32.msk $0xffff, v11  }
0x127: {  	[tilespmem:s29+$0xFAB0] =	vst.add.f32.msk $0xffff, v12  }
0x128: {  	[tilespmem:s29+$0xFAC0] =	vst.add.f32.msk $0xffff, v13  }
0x129: {  	s1 =	simm.s32 $0x0;
	s0 =	simm.s32 $0x400;
	[tilespmem:s29+$0xFAD0] =	vst.add.f32.msk $0xffff, v14  }
.LBB2_9:
0x12a: {  	s1 =	sadd.s32 $0x4, s1;
	[tilespmem:s29+$0xFAE0] =	vst.add.f32.msk $0xffff, v0;
	s29 =	sshra.s32 s0, $0x2  }
0x12b: {  	v0 =	vld [tilespmem:s29+$0x12CF0];
	p1 =	slt.u32 s1, $0xC4  }
0x12c: {  	v1 =	vld [tilespmem:s29+$0x12C00]  }
0x12d: {  	v2 =	vld [tilespmem:s29+$0x12C10]  }
0x12e: {  	v3 =	vld [tilespmem:s29+$0x12C20]  }
0x12f: {  	v4 =	vld [tilespmem:s29+$0x12C30]  }
0x130: {  	[tilespmem:s29+$0xFAF0] =	vst.add.f32.msk $0xffff, v0  }
0x131: {  	v5 =	vld [tilespmem:s29+$0x12C40]  }
0x132: {  	v6 =	vld [tilespmem:s29+$0x12C50]  }
0x133: {  	v7 =	vld [tilespmem:s29+$0x12C60]  }
0x134: {  	v8 =	vld [tilespmem:s29+$0x12C70]  }
0x135: {  	v9 =	vld [tilespmem:s29+$0x12C80]  }
0x136: {  	v10 =	vld [tilespmem:s29+$0x12C90]  }
0x137: {  	v11 =	vld [tilespmem:s29+$0x12CA0]  }
0x138: {  	v12 =	vld [tilespmem:s29+$0x12CB0]  }
0x139: {  	v13 =	vld [tilespmem:s29+$0x12CC0]  }
0x13a: {  	v14 =	vld [tilespmem:s29+$0x12CD0]  }
0x13b: {  	v0 =	vld [tilespmem:s29+$0x12CE0]  }
0x13c: {  	[tilespmem:s29+$0xFA00] =	vst.add.f32.msk $0xffff, v1  }
0x13d: {  	[tilespmem:s29+$0xFA10] =	vst.add.f32.msk $0xffff, v2  }
0x13e: {  	[tilespmem:s29+$0xFA20] =	vst.add.f32.msk $0xffff, v3  }
0x13f: {  	[tilespmem:s29+$0xFA30] =	vst.add.f32.msk $0xffff, v4  }
0x140: {  	[tilespmem:s29+$0xFA40] =	vst.add.f32.msk $0xffff, v5  }
0x141: {  	[tilespmem:s29+$0xFA50] =	vst.add.f32.msk $0xffff, v6  }
0x142: {  	[tilespmem:s29+$0xFA60] =	vst.add.f32.msk $0xffff, v7  }
0x143: {  	[tilespmem:s29+$0xFA70] =	vst.add.f32.msk $0xffff, v8  }
0x144: {  	[tilespmem:s29+$0xFA80] =	vst.add.f32.msk $0xffff, v9  }
.Ltmp5:
0x145: {  	[tilespmem:s29+$0xFA90] =	vst.add.f32.msk $0xffff, v10;
	(pc) =	sbr.rel @p1 .LBB2_9-.Ltmp5, $4  }
0x146: {  	[tilespmem:s29+$0xFAA0] =	vst.add.f32.msk $0xffff, v11  }
0x147: {  	[tilespmem:s29+$0xFAB0] =	vst.add.f32.msk $0xffff, v12  }
0x148: {  	[tilespmem:s29+$0xFAC0] =	vst.add.f32.msk $0xffff, v13  }
0x149: {  	s0 =	sadd.s32 $0x400, s0;
	[tilespmem:s29+$0xFAD0] =	vst.add.f32.msk $0xffff, v14  }
.Ltmp6:
0x14a: {  	s0 =	sadd.s32 s4, s28;
	(pc) =	sbr.rel @p0 .LBB2_12-.Ltmp6, $3  }
0x14b: {  	s0 =	smul.u32 $0x640, s0;
	_ =	sdelay $0x1  }
0x14c: {  	[tilespmem:s29+$0xFAE0] =	vst.add.f32.msk $0xffff, v0;
	s0 =	sadd.s32 s2, s0  }
0x14d: {  	[hbm4b:s0+s3] =	stream.linear.scatter [tilespmem:s17], [sflag:$0x8], $0x3200, $0x38;
	[tilespmem:$0x15E00] =	vst v63  }
0x14e: {  	s0 =	smul.u32 $0xC80, s26  }
.Ltmp7:
0x14f: {  	_ = 	snop;
	(pc) =	sbr.rel .LBB2_2-.Ltmp7, $4  }
0x150: {  	_ =	swait.ge [sflag:s23], $0x3200  }
0x151: {  	[sflag:s23] =	ssyncset.done $0x0;
	s0 =	sshra.s32 s0, $0x2  }
0x152: {  	s26 =	sadd.s32 $0x1, s26;
	[sflag:s23] =	ssyncadd.s32 $0xFFFFCE00;
	s0 =	sadd.s32 $0x4B0, s0  }
0x153: {  	[tilespmem:s15], [sflag:$0x3] =	stream.indirect.gather [hbm4b:s5+s11], $0x40, s0, s11, $0xb8;
	[tilespmem:$0x15E00] =	vst v63  }
.LBB2_13:
0x154: {  	_ =	sfence.sel $0x180000  }
0x155: {  	[bflag:$0x0] =	sbarrier.arrive $0xFFFF  }
0x156: {  	_ =	strace $0x90000047  }
0x157: {  	s0 =	stileid.u32;
	[bflag:$0x2] =	sbarrier.arrive $0xFFFF  }
0x158: {  	p0 =	sne.s32 s0, $0x0;
	s0 =	rddreg [dreg:$0x2]  }
0x159: {  	s0 =	sadd.s32 @!p0 $0x100000, s0  }
0x15a: {  	[sflag:s0] =	ssyncadd.tile.s32 @!p0 $0x1;
	_ =	shalt  }
.Lfunc_end2:
_tile_overlayer_lowered:
.L_overlay_start_2:
0x15b: {  	(tag) =	ssettag $0x2  }
0x15c: {  	s0 =	rddreg [dreg:$0x0];
	s2 =	stileid.u32  }
0x15d: {  	s1 =	rddreg [dreg:$0x1];
	p0 =	sne.s32 s2, $0x0  }
0x15e: {  	s3 =	rddreg [dreg:$0x2];
	[bflag:$0x3] =	sbarrier.arrive $0xFFFF;
	s2 =	simm.s32 @!p0 $0x1C09  }
0x15f: {  	[timem:s3], [sflag:s2] =	dma.local @!p0 [hbm:s0], s1  }
0x160: {  	s0 =	simm.s32 @!p0 $0x9  }
0x161: {  	_ =	swait.ge @!p0 [sflag:s0], s1  }
0x162: {  	s1 =	ssub.s32 @!p0 $0x0, s1;
	[sflag:s0] =	ssyncset.done @!p0 $0x0  }
0x163: {  	[sflag:s0] =	ssyncadd.s32 @!p0 s1  }
0x164: {  	[bflag:$0x3] =	sbarrier.arrive $0xFFFF  }
0x165: {  	_ =	shalt  }

// kernel: sparse-core-data-format-call.cloned.1.call-start
scs
called_computation_lowered:
.L_overlay_start_0:
0x0: {  	s2 =	sld [smem:$0x3FD9]  }
0x1: {  	s3 =	sld [smem:$0x3FFE];
	_ =	sdelay $0x1  }
0x2: {  	s1 =	srdreg.scid  }
0x3: {  	s0 =	sand.u32 $0x1, s1  }
0x4: {  	s18 =	sshll.u32 s0, $0xA;
	s2 =	sadd.s32 s3, s2  }
0x5: {  	s2 =	sadd.s32 s2, s18  }
0x6: {  	[smem:$0x3FC5] =	sst s2  }
0x7: {  	_ = 	snop  }
0x8: {  	s2 =	sld [smem:$0x3FD0];
	(tm) =	ssettm $0x1  }
0x9: {  	s19 =	sld [smem:$0x3FFB];
	_ =	sdelay $0x3  }
0xa: {  	_ =	strace s19  }
0xb: {  	s3 =	sld [smem:$0x3FFC];
	_ =	sdelay $0x3  }
0xc: {  	_ =	strace s3  }
0xd: {  	s3 =	sld [smem:$0x3FFD];
	_ =	sdelay $0x3  }
0xe: {  	_ =	strace s3  }
0xf: {  	_ =	strace $0x8FFFFFFF  }
0x10: {  	s20 =	sld [smem:$0x3FDB];
	_ =	sdelay $0x1  }
0x11: {  	s4 =	simm.s32 $_scs_section_size  }
0x12: {  	s5 =	simm.s32 $_size__tile_overlayer_lowered;
	s6 =	simm.s32 $_tile_overlayer_lowered  }
0x13: {  	s23 =	simm.s32 $0x1BFF;
	s22 =	sshll.u32 s6, $0x1;
	s3 =	sadd.s32 s4, s20  }
0x14: {  	s7 =	simm.s32 $0x0;
	s21 =	sshll.u32 s5, $0x1;
	s5 =	sadd.s32 s22, s3  }
0x15: {  	[timem:s7], [sflag:s23] =	dma.local [hbm:s5], s21  }
0x16: {  	_ =	swait.ge [sflag:s23], s21  }
0x17: {  	s4 =	ssub.s32 $0x0, s21;
	[sflag:s23] =	ssyncset.done $0x0  }
0x18: {  	[sflag:s23] =	ssyncadd.s32 s4;
	_ =	sdelay $0x1  }
0x19: {  	s24 =	simm.s32 $0x1B8B  }
0x1a: {  	_ =	swait.ge [sflag:s24], $0x1  }
0x1b: {  	[sflag:s24] =	ssyncset.done $0x0  }
0x1c: {  	s26 =	simm.s32 $0x1B8E;
	s25 =	sld [smem:$0x3FFE];
	[sflag:s24] =	ssyncadd.s32 $0xFFFFFFFF  }
0x1d: {  	s27 =	simm.s32 $execute0_lowered;
	[smem:$0x3FD2] =	sst s26  }
0x1e: {  	s5 =	sshll.u32 s27, $0x1;
	_ =	strace $0x80000049;
	[dreg:$0x1] =	wrdreg $0xFFFFFFFF  }
0x1f: {  	s28 =	simm.s32 $_size_execute0_lowered;
	s3 =	sadd.s32 s3, s5;
	[dreg:$0x0] =	wrdreg $0x0  }
0x20: {  	s5 =	sshll.u32 s28, $0x1;
	[dreg:$0x2] =	wrdreg s3  }
0x21: {  	[dreg:$0x3] =	wrdreg s5  }
0x22: {  	[dreg:$0x4] =	wrdreg $0xC0  }
0x23: {  	_ =	task [dreg:s7], $0x5FFFF  }
0x24: {  	[dreg:$0x1] =	wrdreg $0xFFFFFFFF  }
0x25: {  	[dreg:$0x0] =	wrdreg $0x60  }
0x26: {  	[dreg:$0x2] =	wrdreg s25  }
0x27: {  	[dreg:$0x3] =	wrdreg s2  }
0x28: {  	[dreg:$0x4] =	wrdreg $0x9  }
0x29: {  	_ =	task.clear_ibuf [dreg:s7], $0x5FFFF;
	_ =	strace $0x90000049  }
0x2a: {  	s29 =	simm.s32 $0x9;
	_ =	strace $0x8000004B  }
0x2b: {  	_ =	swait.ge [sflag:s29], $0x1  }
0x2c: {  	[sflag:s29] =	ssyncadd.s32 $0xFFFFFFFF  }
0x2d: {  	_ =	strace $0x9000004B  }
0x2e: {  	_ =	sfence  }
0x2f: {  	s30 =	sld [smem:$0x0];
	_ =	sdelay $0x2  }
0x30: {  	s31 =	sshll.u32 s1, $0xD;
	s1 =	sshrl.u32 s1, $0x2  }
0x31: {  	s3 =	sand.u32 $0x4000, s31;
	s1 =	sadd.s32 s1, s30  }
0x32: {  	s0 =	sor.u32 s3, s0;
	s1 =	sshll.u32 s1, $0x11  }
0x33: {  	s0 =	sor.u32 s1, s0  }
0x34: {  	s0 =	sadd.s32 $0x8F2B, s0  }
0x35: {  	[sflag:s0] =	ssyncadd.remote.s32 $0x1  }
0x36: {  	_ =	sfence.sel $0xFFFF  }
0x37: {  	[dreg:$0x0] =	wrdreg $0xFFFFFFFF;
	(pc) =	sbr.abs _section_cstart, $3  }
0x38: {  	[dreg:$0x1] =	wrdreg $0xFFFFFFFF  }
0x39: {  	_ =	task.clear_ibuf [dreg:s7], $0x2FFFF;
	_ =	strace $0x9FFFFFFF  }
0x3a: {  	(tm) =	ssettm $0x7FFFFFFF  }
0x3b: {  	_ =	shalt  }
tec
execute0_lowered:
.L_overlay_start_1:
0x0: {  	(tag) =	ssettag $0x1  }
0x1: {  	s0 =	srdreg.scid  }
0x2: {  	s1 =	sshll.u32 s0, $0x4  }
0x3: {  	s0 =	stileid.u32;
	s1 =	sand.u32 $0x10, s1  }
0x4: {  	s1 =	sor.u32 s0, s1  }
0x5: {  	s6 =	rddreg [dreg:$0x0];
	s4 =	simm.s32 $0x1;
	s2 =	sshll.u32 s1, $0x7  }
0x6: {  	s7 =	simm.s32 $0x2;
	s12 =	simm.s32 $0x0;
	s1 =	ssub.s32 $0x1000, s2  }
0x7: {  	s8 =	simm.s32 $0x8000;
	s13 =	simm.s32 $0x0;
	s3 =	sand.u32 $0xF80, s1  }
0x8: {  	s9 =	simm.s32 $0x0;
	s5 =	sshrl.u32 s1, $0xC;
	p0 =	sne.s32 s3, $0x0  }
.Ltmp0:
0x9: {  	s1 =	rddreg [dreg:$0x2];
	s4 =	simm.s32 @!p0 $0x0;
	(pc) =	sbr.rel .LBB1_1-.Ltmp0, $4  }
0xa: {  	s11 =	simm.s32 $0x0;
	s3 =	rddreg [dreg:$0x1];
	s5 =	sadd.s32 s4, s5  }
0xb: {  	_ =	strace $0x8000004A;
	s4 =	simm.s32 $0x1;
	s5 =	smul.u32 $0xC8, s5  }
0xc: {  	s6 =	sadd.s32 $0xC00, s6;
	s10 =	smov.u32 s2;
	[sflag:s4] =	ssyncpa.u1 $0x0  }
0xd: {  	p0 =	por $0x0, $0x0;
	[sflag:s7] =	ssyncpa.u1 $0x0;
	s7 =	sor.u32 $0x1, s5  }
.LBB1_4:
0xe: {  	s16 =	sshll.u32 s13, $0x3;
	s17 =	sand.u32 $0x78, s13  }
0xf: {  	s30 =	sand.u32 $0x7E00, s13;
	s12 =	sshll.u32 s12, $0xF;
	s16 =	sand.u32 $0xC00, s16  }
0x10: {  	[tilespmem:s15+$0x810 ss:$0x81] =	vst.msk $0xffff, v2;
	s31 =	sand.u32 $0x7, s13;
	s16 =	sor.u32 s17, s16;
	s17 =	sadd.s32 s3, s30  }
0x11: {  	[tilespmem:s15+$0x1020 ss:$0x81] =	vst.msk $0xffff, v0;
	s13 =	sshll.u32 s31, $0x12;
	s12 =	sadd.s32 s12, s17;
	s16 =	sshrl.u32 s16, $0x3  }
0x12: {  	[tilespmem:s15+$0x0 ss:$0x81] =	vst.msk $0xffff, v1;
	s13 =	sor.u32 $0x400, s13;
	s12 =	sadd.s32 s16, s12  }
0x13: {  	[hbm4b:s12+s13] =	stream.strided.scatter [tilespmem:s14], [sflag:$0x2], $0x2000, s8, s13, $0x20;
	[tilespmem:$0x8080] =	vst v63  }
.LBB1_5:
0x14: {  	s14 =	sadd.s32 $0x1, s9  }
0x15: {  	s12 =	sadd.s32 $0x1000, s10;
	s16 =	smov.u32 s10;
	p2 =	sgt.s32 s14, $0xC7  }
0x16: {  	s16 =	smov.u32 @p2 s12  }
0x17: {  	s14 =	simm.s32 @p2 $0x0;
	p2 =	sgt.s32 s16, $0xFFF  }
0x18: {  	s16 =	smov.u32 @p2 s2;
	p2 =	sne.s32 s11, s7  }
.Ltmp1:
0x19: {  	p1 =	slt.u32 s11, $0x2;
	(pc) =	sbr.rel @!p2 .LBB1_6-.Ltmp1, $4  }
0x1a: {  	s15 =	simm.s32 @!p1 $0x2  }
0x1b: {  	s13 =	smov.u32 s10;
	p0 =	por !p0, !p0;
	_ =	swait.ge @!p1 [sflag:s15], $0x2000  }
0x1c: {  	s12 =	smov.u32 s9;
	[sflag:s15] =	ssyncset.done @!p1 $0x0;
	s9 =	smov.u32 s14  }
0x1d: {  	s11 =	sadd.s32 $0x1, s11;
	[sflag:s15] =	ssyncadd.s32 @!p1 $0xFFFFE000;
	s10 =	smov.u32 s16  }
.LBB1_1:
0x1e: {  	p1 =	sge.u32 s11, s5  }
0x1f: {  	s14 =	sand.u32 @!p1 $0x1FFFFFF, s9  }
0x20: {  	s15 =	smulhi.u32 @!p1 $0x147AE15, s14;
	_ =	sdelay $0x1  }
0x21: {  	s15 =	smul.u32 @!p1 $0xC8, s15  }
0x22: {  	s16 =	sxor.u32 @!p1 $0xFFFFFFFF, s11;
	s17 =	smul.u32 @!p1 $0xC80, s10  }
0x23: {  	s31 =	sadd.s32 $0xFFFFFFFF, s11;
	s16 =	sshll.u32 @!p1 s16, $0xD;
	s14 =	ssub.s32 @!p1 s14, s15  }
0x24: {  	s15 =	sand.u32 @!p1 $0x2000, s16;
	s16 =	sadd.s32 @!p1 s6, s17;
	s14 =	sshll.u32 @!p1 s14, $0x4  }
0x25: {  	s17 =	simm.s32 @!p1 $0x6400;
	s14 =	sadd.s32 @!p1 s14, s16;
	s16 =	simm.s32 @!p1 $0x40  }
0x26: {  	[tilespmem:s15], [sflag:$0x1] =	stream.strided.gather @!p1 [hbm4b:s14+s16], $0x2000, s17, s16, $0x38;
	[tilespmem:$0x8080] =	vst v63  }
0x27: {  	p1 =	sge.u32 s31, s5  }
.Ltmp2:
0x28: {  	_ = 	snop;
	(pc) =	sbr.rel @p1 .LBB1_5-.Ltmp2, $1  }
0x29: {  	_ =	sdelay $0x3  }
0x2a: {  	s14 =	simm.s32 $0x1  }
0x2b: {  	_ =	swait.ge [sflag:s4], $0x2000;
	s14 =	simm.s32 @!p0 $0x0  }
0x2c: {  	[sflag:s4] =	ssyncset.done $0x0;
	s15 =	sshll.u32 s14, $0xD  }
0x2d: {  	[sflag:s4] =	ssyncadd.s32 $0xFFFFE000;
	s18 =	sor.u32 $0x20, s15  }
0x2e: {  	s14 =	smul.u32 $0x8100, s14;
	v3 =	vld [tilespmem:s18+$0x10]  }
0x2f: {  	s30 =	sand.u32 $0x1, s11;
	v2 =	vld [tilespmem:s18+$0xFFFFFFF0]  }
0x30: {  	s15 =	smul.u32 $0x8100, s30;
	s14 =	sshrl.u32 s14, $0x2;
	v0 =	vld [tilespmem:s18+$0x0]  }
0x31: {  	v1 =	vld [tilespmem:s18+$0xFFFFFFE0];
	s16 =	sor.u32 $0x4000, s14  }
0x32: {  	s31 =	sshrl.u32 s15, $0x2;
	s15 =	sadd.s32 $0x0, s16  }
0x33: {  	s17 =	simm.s32 $0x4;
	s18 =	sadd.s32 $0x40, s18;
	s14 =	sor.u32 $0x4000, s31;
	[tilespmem:s15+$0x1830 ss:$0x81] =	vst.msk $0xffff, v3  }
.LBB1_3:
0x34: {  	v3 =	vld [tilespmem:s18+$0x10];
	p1 =	sne.s32 s17, $0x1FC;
	[tilespmem:s15+$0x810 ss:$0x81] =	vst.msk $0xffff, v2;
	s19 =	smov.u32 s17;
	s17 =	sadd.s32 $0x4, s17  }
.Ltmp3:
0x35: {  	v2 =	vld [tilespmem:s18+$0xFFFFFFF0];
	[tilespmem:s15+$0x1020 ss:$0x81] =	vst.msk $0xffff, v0;
	(pc) =	sbr.rel @p1 .LBB1_3-.Ltmp3, $4  }
0x36: {  	v0 =	vld [tilespmem:s18+$0x0];
	[tilespmem:s15+$0x0 ss:$0x81] =	vst.msk $0xffff, v1  }
0x37: {  	s15 =	sshra.s32 s19, $0x2;
	v1 =	vld [tilespmem:s18+$0xFFFFFFE0]  }
0x38: {  	s15 =	sadd.s32 s15, s16  }
0x39: {  	s18 =	sadd.s32 $0x40, s18;
	[tilespmem:s15+$0x1830 ss:$0x81] =	vst.msk $0xffff, v3  }
.Ltmp4:
0x3a: {  	_ = 	snop;
	(pc) =	sbr.rel .LBB1_4-.Ltmp4, $1  }
0x3b: {  	_ =	sdelay $0x3  }
.LBB1_6:
0x3c: {  	_ =	sfence.sel $0x180000  }
0x3d: {  	s2 =	simm.s32 $0x1;
	[bflag:$0x0] =	sbarrier.arrive $0xFFFF  }
0x3e: {  	s31 =	simm.s32 $0x2;
	[sflag:s2] =	ssyncpa.u1 $0x1  }
0x3f: {  	[sflag:s31] =	ssyncpa.u1 $0x1  }
0x40: {  	p0 =	sne.s32 s0, $0x0;
	_ =	strace $0x9000004A  }
0x41: {  	s0 =	sadd.s32 @!p0 $0x100000, s1;
	[bflag:$0x2] =	sbarrier.arrive $0xFFFF  }
0x42: {  	[sflag:s0] =	ssyncadd.tile.s32 @!p0 $0x1;
	_ =	shalt  }
.Lfunc_end1:
_tile_overlayer_lowered:
.L_overlay_start_2:
0x43: {  	(tag) =	ssettag $0x2  }
0x44: {  	s0 =	rddreg [dreg:$0x0];
	s2 =	stileid.u32  }
0x45: {  	s1 =	rddreg [dreg:$0x1];
	p0 =	sne.s32 s2, $0x0  }
0x46: {  	s3 =	rddreg [dreg:$0x2];
	[bflag:$0x3] =	sbarrier.arrive $0xFFFF;
	s2 =	simm.s32 @!p0 $0x1C01  }
0x47: {  	[timem:s3], [sflag:s2] =	dma.local @!p0 [hbm:s0], s1  }
0x48: {  	s0 =	simm.s32 @!p0 $0x1  }
0x49: {  	_ =	swait.ge @!p0 [sflag:s0], s1  }
0x4a: {  	s1 =	ssub.s32 @!p0 $0x0, s1;
	[sflag:s0] =	ssyncset.done @!p0 $0x0  }
0x4b: {  	[sflag:s0] =	ssyncadd.s32 @!p0 s1  }
0x4c: {  	[bflag:$0x3] =	sbarrier.arrive $0xFFFF  }
0x4d: {  	_ =	shalt  }

</sc_bundles>
